<compile_context>
chip_gen: v7x
topology: tpu7x:2x2x1
jax: 0.10.2.dev20260603
libtpu: 0.0.44.dev20260713+nightly
codegen_flags: <defaults>
</compile_context>

<pallas_src>
import jax
import jax.numpy as jnp
from jax import lax
from jax.experimental import pallas as pl
from jax.experimental.pallas import tpu as pltpu
from jax.experimental.pallas import tpu_sc as plsc

NC = 2
NS = 16
NT = NC * NS
CHUNK = 80


def _sc_mesh():
    return plsc.VectorSubcoreMesh(
        core_axis_name="c", subcore_axis_name="s", num_cores=NC, num_subcores=NS
    )


def _histogram_call(npad, nch):
    rows_per_tile = npad // NS

    WIN = 8

    def body(srcdst_hbm, zeros_hbm, deg_hbm, deg_out_sh, deg_in_sh, ones_v,
             idx_src, idx_dst, hsem):
        c = lax.axis_index("c")
        s = lax.axis_index("s")
        wid = s * NC + c
        sl = pl.ds(s * rows_per_tile, rows_per_tile)
        pltpu.sync_copy(zeros_hbm.at[sl], deg_out_sh.at[sl])
        pltpu.sync_copy(zeros_hbm.at[sl], deg_in_sh.at[sl])
        for i in range(CHUNK // 16):
            ones_v[pl.ds(i * 16, 16)] = jnp.ones((16,), jnp.float32)
        plsc.subcore_barrier()
        pltpu.sync_copy(srcdst_hbm.at[0, wid], idx_src)
        pltpu.sync_copy(srcdst_hbm.at[1, wid], idx_dst)

        def hsrc(j, carry):
            pltpu.sync_copy(ones_v, deg_out_sh.at[idx_src.at[j]], add=True)
            return carry

        lax.fori_loop(0, nch, hsrc, 0)

        def hdst(j, carry):
            pltpu.sync_copy(ones_v, deg_in_sh.at[idx_dst.at[j]], add=True)
            return carry

        lax.fori_loop(0, nch, hdst, 0)
        plsc.subcore_barrier()
        base = s * rows_per_tile
        pltpu.sync_copy(deg_out_sh.at[sl],
                        deg_hbm.at[pl.ds(c * npad + base, rows_per_tile)])
        pltpu.sync_copy(deg_in_sh.at[sl],
                        deg_hbm.at[pl.ds((NC + c) * npad + base, rows_per_tile)])

    return pl.kernel(
        body,
        out_type=jax.ShapeDtypeStruct((2 * NC * npad,), jnp.float32),
        mesh=_sc_mesh(),
        scratch_types=[
            pltpu.VMEM_SHARED((npad,), jnp.float32),
            pltpu.VMEM_SHARED((npad,), jnp.float32),
            pltpu.VMEM((CHUNK,), jnp.float32),
            pltpu.VMEM((nch, CHUNK), jnp.int32),
            pltpu.VMEM((nch, CHUNK), jnp.int32),
            pltpu.SemaphoreType.DMA,
        ],
    )


def _gather_scatter_call(npad, nch, d):
    rows_per_tile = npad // NS

    NB = 3

    def body(srcdst_hbm, t_hbm, zrows_hbm, part_hbm, agg_sh, src_idx,
             dstb0, dstb1, dstb2, rows0, rows1, rows2,
             gsem0, gsem1, gsem2, dsem0, dsem1, dsem2, ssem0, ssem1, ssem2):
        c = lax.axis_index("c")
        s = lax.axis_index("s")
        wid = s * NC + c
        sl = pl.ds(s * rows_per_tile, rows_per_tile)
        pltpu.sync_copy(zrows_hbm.at[sl], agg_sh.at[sl])
        pltpu.sync_copy(srcdst_hbm.at[0, wid], src_idx)
        plsc.subcore_barrier()

        rows = (rows0, rows1, rows2)
        gsems = (gsem0, gsem1, gsem2)
        dstbs = (dstb0, dstb1, dstb2)
        dsems = (dsem0, dsem1, dsem2)
        ssems = (ssem0, ssem1, ssem2)

        def issue(j, slot):
            pltpu.async_copy(srcdst_hbm.at[1, wid, pl.ds(j, 1)],
                             dstbs[slot], dsems[slot])
            pltpu.async_copy(t_hbm.at[src_idx.at[j]], rows[slot], gsems[slot])

        def wait_in(j, slot):
            pltpu.make_async_copy(srcdst_hbm.at[1, wid, pl.ds(j, 1)],
                                  dstbs[slot], dsems[slot]).wait()
            pltpu.make_async_copy(t_hbm.at[src_idx.at[j]],
                                  rows[slot], gsems[slot]).wait()

        def wait_scat(slot):
            pltpu.make_async_copy(rows[slot], agg_sh.at[dstbs[slot].at[0]],
                                  ssems[slot]).wait()

        issue(0, 0)
        issue(1, 1)

        def step(g, carry):
            for slot in range(NB):
                j = g * NB + slot
                wait_in(j, slot)
                pltpu.async_copy(rows[slot], agg_sh.at[dstbs[slot].at[0]],
                                 ssems[slot], add=True)
                nslot = (slot + 2) % NB

                @pl.when(j + 2 < nch)
                def _():
                    @pl.when(j >= 1)
                    def _():
                        wait_scat(nslot)

                    issue(j + 2, nslot)

            return carry

        lax.fori_loop(0, nch // NB, step, 0)
        for j in range((nch // NB) * NB, nch):
            slot = j % NB
            wait_in(j, slot)
            pltpu.async_copy(rows[slot], agg_sh.at[dstbs[slot].at[0]],
                             ssems[slot], add=True)
            if j + 2 < nch:
                wait_scat((slot + 2) % NB)
                issue(j + 2, (slot + 2) % NB)
        for j in range(max(nch - NB, 0), nch):
            wait_scat(j % NB)
        plsc.subcore_barrier()
        pltpu.sync_copy(agg_sh.at[sl], part_hbm.at[c, sl])

    return pl.kernel(
        body,
        out_type=jax.ShapeDtypeStruct((NC, npad, d), jnp.float32),
        mesh=_sc_mesh(),
        scratch_types=[
            pltpu.VMEM_SHARED((npad, d), jnp.float32),
            pltpu.VMEM((nch, CHUNK), jnp.int32),
            pltpu.VMEM((1, CHUNK), jnp.int32),
            pltpu.VMEM((1, CHUNK), jnp.int32),
            pltpu.VMEM((1, CHUNK), jnp.int32),
            pltpu.VMEM((CHUNK, d), jnp.float32),
            pltpu.VMEM((CHUNK, d), jnp.float32),
            pltpu.VMEM((CHUNK, d), jnp.float32),
            pltpu.SemaphoreType.DMA,
            pltpu.SemaphoreType.DMA,
            pltpu.SemaphoreType.DMA,
            pltpu.SemaphoreType.DMA,
            pltpu.SemaphoreType.DMA,
            pltpu.SemaphoreType.DMA,
            pltpu.SemaphoreType.DMA,
            pltpu.SemaphoreType.DMA,
            pltpu.SemaphoreType.DMA,
        ],
    )


def _norm_matmul(x_in, w, deg, d, blk):
    n = x_in.shape[0]

    def body(x_ref, w_ref, deg_ref, t_ref):
        dv = deg_ref[:, 0] + deg_ref[:, 1]
        norm = jnp.where(dv > 0, lax.rsqrt(jnp.maximum(dv, 1e-12)), 0.0)
        t_ref[...] = jnp.dot(
            x_ref[...] * norm[:, None], w_ref[...],
            preferred_element_type=jnp.float32,
        )

    return pl.pallas_call(
        body,
        grid=(n // blk,),
        in_specs=[
            pl.BlockSpec((blk, d), lambda i: (i, 0)),
            pl.BlockSpec((d, d), lambda i: (0, 0)),
            pl.BlockSpec((blk, 2 * NC), lambda i: (i, 0)),
        ],
        out_specs=pl.BlockSpec((blk, d), lambda i: (i, 0)),
        out_shape=jax.ShapeDtypeStruct((n, d), jnp.float32),
    )(x_in, w, deg)


def _finalize(parts, deg, b2d, n, d, blk):
    def body(part_ref, deg_ref, b_ref, out_ref):
        ssum = part_ref[0] + part_ref[1]
        dv = deg_ref[:, NC] + deg_ref[:, NC + 1]
        norm = jnp.where(dv > 0, lax.rsqrt(jnp.maximum(dv, 1e-12)), 0.0)
        out_ref[...] = ssum * norm[:, None] + b_ref[0, :][None, :]

    return pl.pallas_call(
        body,
        grid=(n // blk,),
        in_specs=[
            pl.BlockSpec((NC, blk, d), lambda i: (0, i, 0)),
            pl.BlockSpec((blk, 2 * NC), lambda i: (i, 0)),
            pl.BlockSpec((1, d), lambda i: (0, 0)),
        ],
        out_specs=pl.BlockSpec((blk, d), lambda i: (i, 0)),
        out_shape=jax.ShapeDtypeStruct((n, d), jnp.float32),
    )(parts, deg, b2d)


def kernel(x, edge_index, W, b):
    n, d = x.shape
    e = edge_index.shape[1]
    npad = ((n + NS * 16 - 1) // (NS * 16)) * (NS * 16)
    epad = ((e + NT * CHUNK - 1) // (NT * CHUNK)) * (NT * CHUNK)
    nch = epad // (NT * CHUNK)

    if epad > e:
        npad = npad + NS * 16 if npad == n else npad
        spread = max(npad - n, 1)
        pad_ids = n + (jnp.arange(epad - e, dtype=jnp.int32) % spread)
        srcdst = jnp.concatenate(
            [edge_index, jnp.broadcast_to(pad_ids, (2, epad - e))], axis=1
        ).reshape(2, NT, nch, CHUNK)
        x_in = jnp.concatenate([x, jnp.zeros((npad - n, d), jnp.float32)])
    else:
        srcdst = edge_index.reshape(2, NT, nch, CHUNK)
        x_in = x

    nt = x_in.shape[0]
    zeros_n = jnp.zeros((npad,), jnp.float32)
    zrows = jnp.zeros((npad, d), jnp.float32)

    deg = _histogram_call(npad, nch)(srcdst, zeros_n)
    deg_t = deg.reshape(2 * NC, npad).T
    t = _norm_matmul(x_in, W, deg_t, d, blk=nt // 10 if nt % 10 == 0 else nt)
    parts = _gather_scatter_call(npad, nch, d)(srcdst, t, zrows)
    out = _finalize(parts, deg_t, b.reshape(1, d), n, d,
                    blk=n // 10 if n % 10 == 0 else n)
    return out

# --- scband reference (transcript-rebuilt; emitter-appended) ---
"""Pipeline reference for scband-conv-dgl-33045478375876 (READ-ONLY COPY).

The authoritative reference and input builder live on the scoring server;
editing this copy changes nothing except your own understanding.
"""

import jax, jax.numpy as jnp
import numpy as np

N = 10000
E = 320000
D_IN = 128
D_OUT = 128


def setup_inputs(seed: int = 0) -> dict:
    key = jax.random.key(seed)
    k1, k2, k3 = jax.random.split(key, 3)
    x = jax.random.normal(k1, (N, D_IN), dtype=jnp.float32)
    edge_index = jax.random.randint(k2, (2, E), 0, N, dtype=jnp.int32)
    # learned params of the selected core op ('gcn' ~ DGL GraphConv): weight + bias
    W = jax.random.normal(k3, (D_IN, D_OUT), dtype=jnp.float32) * (1.0 / np.sqrt(D_IN))
    b = jnp.zeros((D_OUT,), dtype=jnp.float32)
    return {"x": x, "edge_index": edge_index, "W": W, "b": b}


def reference(x, edge_index, W, b):
    # ConvDGL with pos=0, act=Identity, dropout=0, bn=False, res=False reduces to
    # core['gcn'](x, edge_index): symmetric-normalized GCN conv (DGL GraphConv, norm='both').
    src = edge_index[0]
    dst = edge_index[1]
    n = x.shape[0]
    ones = jnp.ones((src.shape[0],), dtype=x.dtype)
    deg_out = jnp.zeros((n,), dtype=x.dtype).at[src].add(ones)
    deg_in = jnp.zeros((n,), dtype=x.dtype).at[dst].add(ones)
    norm_src = jnp.where(deg_out > 0, jax.lax.rsqrt(jnp.maximum(deg_out, 1e-12)), 0.0)
    norm_dst = jnp.where(deg_in > 0, jax.lax.rsqrt(jnp.maximum(deg_in, 1e-12)), 0.0)
    h = x * norm_src[:, None]
    msg = jnp.take(h, src, axis=0)
    agg = jnp.zeros((n, h.shape[1]), dtype=h.dtype).at[dst].add(msg)
    agg = agg * norm_dst[:, None]
    out = agg @ W + b
    return out

if __name__ == "__main__":
    import jax
    _d = setup_inputs()
    print(jax.jit(kernel)(*tuple(_d.values())))

</pallas_src>

<mosaic_0001>
#map = affine_map<(d0, d1) -> (0, 0, 0, 0)>
#map1 = affine_map<(d0, d1) -> (0)>
module attributes {stable_mosaic.version = 14 : i64} {
  func.func @body(%arg0: i32, %arg1: i32, %arg2: memref<2x32x125x80xi32, #tpu.memory_space<hbm>>, %arg3: memref<10240xf32, #tpu.memory_space<hbm>>, %arg4: memref<40960xf32, #tpu.memory_space<hbm>>, %arg5: memref<10240xf32, #tpu.memory_space<vmem_shared>>, %arg6: memref<10240xf32, #tpu.memory_space<vmem_shared>>, %arg7: memref<80xf32, #tpu.memory_space<vmem>>, %arg8: memref<125x80xi32, #tpu.memory_space<vmem>>, %arg9: memref<125x80xi32, #tpu.memory_space<vmem>>, %arg10: memref<!tpu.dma_semaphore, #tpu.memory_space<semaphore_mem>>) attributes {dimension_semantics = [#tpu.dimension_semantics<core_parallel>, #tpu.dimension_semantics<subcore_parallel>], iteration_bounds = array<i64: 2, 16>, scalar_prefetch = 0 : i64, scratch_operands = 6 : i64, tpu.core_type = #tpu.core_type<sc_vector_subcore>, window_params = [{transform_indices = #map}, {transform_indices = #map1}, {transform_indices = #map1}]} {
    %mul3A = arith.constant 2 : i32
    %mul3A_0 = arith.muli %arg1, %mul3A : i32
    %add3A = arith.addi %mul3A_0, %arg0 : i32
    %mul3A_1 = arith.constant 640 : i32
    %mul3A_2 = arith.muli %arg1, %mul3A_1 : i32
    "tpu.region"() ({
      %run_scoped3A_54 = tpu.sem_alloc : memref<!tpu.dma_semaphore, #tpu.memory_space<semaphore_mem>>
      %dma_start3A = tpu.memref_slice %arg5[%mul3A_2] : memref<10240xf32, #tpu.memory_space<vmem_shared>> -> memref<640xf32, #tpu.memory_space<vmem_shared>>
      %dma_start3A_55 = tpu.memref_slice %arg3[%mul3A_2] : memref<10240xf32, #tpu.memory_space<hbm>> -> memref<640xf32, #tpu.memory_space<hbm>>
      tpu.enqueue_dma source(%dma_start3A_55 : memref<640xf32, #tpu.memory_space<hbm>>) target(%dma_start3A : memref<640xf32, #tpu.memory_space<vmem_shared>>) target_semaphore(%run_scoped3A_54 : memref<!tpu.dma_semaphore, #tpu.memory_space<semaphore_mem>>)
      %dma_wait3A = tpu.memref_slice %arg5[%mul3A_2] : memref<10240xf32, #tpu.memory_space<vmem_shared>> -> memref<640xf32, #tpu.memory_space<vmem_shared>>
      %dma_wait3A_56 = tpu.memref_slice %arg3[%mul3A_2] : memref<10240xf32, #tpu.memory_space<hbm>> -> memref<640xf32, #tpu.memory_space<hbm>>
      tpu.wait_dma2 semaphore(%run_scoped3A_54 : memref<!tpu.dma_semaphore, #tpu.memory_space<semaphore_mem>>) src(%dma_wait3A_56 : memref<640xf32, #tpu.memory_space<hbm>>) dst(%dma_wait3A : memref<640xf32, #tpu.memory_space<vmem_shared>>)
      tpu.yield
    }) : () -> ()
    "tpu.region"() ({
      %run_scoped3A_54 = tpu.sem_alloc : memref<!tpu.dma_semaphore, #tpu.memory_space<semaphore_mem>>
      %dma_start3A = tpu.memref_slice %arg6[%mul3A_2] : memref<10240xf32, #tpu.memory_space<vmem_shared>> -> memref<640xf32, #tpu.memory_space<vmem_shared>>
      %dma_start3A_55 = tpu.memref_slice %arg3[%mul3A_2] : memref<10240xf32, #tpu.memory_space<hbm>> -> memref<640xf32, #tpu.memory_space<hbm>>
      tpu.enqueue_dma source(%dma_start3A_55 : memref<640xf32, #tpu.memory_space<hbm>>) target(%dma_start3A : memref<640xf32, #tpu.memory_space<vmem_shared>>) target_semaphore(%run_scoped3A_54 : memref<!tpu.dma_semaphore, #tpu.memory_space<semaphore_mem>>)
      %dma_wait3A = tpu.memref_slice %arg6[%mul3A_2] : memref<10240xf32, #tpu.memory_space<vmem_shared>> -> memref<640xf32, #tpu.memory_space<vmem_shared>>
      %dma_wait3A_56 = tpu.memref_slice %arg3[%mul3A_2] : memref<10240xf32, #tpu.memory_space<hbm>> -> memref<640xf32, #tpu.memory_space<hbm>>
      tpu.wait_dma2 semaphore(%run_scoped3A_54 : memref<!tpu.dma_semaphore, #tpu.memory_space<semaphore_mem>>) src(%dma_wait3A_56 : memref<640xf32, #tpu.memory_space<hbm>>) dst(%dma_wait3A : memref<640xf32, #tpu.memory_space<vmem_shared>>)
      tpu.yield
    }) : () -> ()
    %broadcast_in_dim3A = arith.constant 1.000000e+00 : f32
    %broadcast_in_dim3A_3 = vector.broadcast %broadcast_in_dim3A : f32 to vector<16xf32>
    %swap3A = arith.constant 0 : index
    %swap3A_4 = tpu.vector_load %arg7[%swap3A] {strides = array<i32>} : memref<80xf32, #tpu.memory_space<vmem>>, vector<16xf32>,
    %swap3A_5 = vector.shape_cast %swap3A_4 : vector<16xf32> to vector<16xf32>
    %swap3A_6 = vector.shape_cast %broadcast_in_dim3A_3 : vector<16xf32> to vector<16xf32>
    tpu.vector_store %arg7[%swap3A], %swap3A_6 {strides = array<i32>} : memref<80xf32, #tpu.memory_space<vmem>>, vector<16xf32>,
    %broadcast_in_dim3A_7 = arith.constant 1.000000e+00 : f32
    %broadcast_in_dim3A_8 = vector.broadcast %broadcast_in_dim3A_7 : f32 to vector<16xf32>
    %swap3A_9 = arith.constant 16 : index
    %swap3A_10 = tpu.vector_load %arg7[%swap3A_9] {strides = array<i32>} : memref<80xf32, #tpu.memory_space<vmem>>, vector<16xf32>,
    %swap3A_11 = vector.shape_cast %swap3A_10 : vector<16xf32> to vector<16xf32>
    %swap3A_12 = vector.shape_cast %broadcast_in_dim3A_8 : vector<16xf32> to vector<16xf32>
    tpu.vector_store %arg7[%swap3A_9], %swap3A_12 {strides = array<i32>} : memref<80xf32, #tpu.memory_space<vmem>>, vector<16xf32>,
    %broadcast_in_dim3A_13 = arith.constant 1.000000e+00 : f32
    %broadcast_in_dim3A_14 = vector.broadcast %broadcast_in_dim3A_13 : f32 to vector<16xf32>
    %swap3A_15 = arith.constant 32 : index
    %swap3A_16 = tpu.vector_load %arg7[%swap3A_15] {strides = array<i32>} : memref<80xf32, #tpu.memory_space<vmem>>, vector<16xf32>,
    %swap3A_17 = vector.shape_cast %swap3A_16 : vector<16xf32> to vector<16xf32>
    %swap3A_18 = vector.shape_cast %broadcast_in_dim3A_14 : vector<16xf32> to vector<16xf32>
    tpu.vector_store %arg7[%swap3A_15], %swap3A_18 {strides = array<i32>} : memref<80xf32, #tpu.memory_space<vmem>>, vector<16xf32>,
    %broadcast_in_dim3A_19 = arith.constant 1.000000e+00 : f32
    %broadcast_in_dim3A_20 = vector.broadcast %broadcast_in_dim3A_19 : f32 to vector<16xf32>
    %swap3A_21 = arith.constant 48 : index
    %swap3A_22 = tpu.vector_load %arg7[%swap3A_21] {strides = array<i32>} : memref<80xf32, #tpu.memory_space<vmem>>, vector<16xf32>,
    %swap3A_23 = vector.shape_cast %swap3A_22 : vector<16xf32> to vector<16xf32>
    %swap3A_24 = vector.shape_cast %broadcast_in_dim3A_20 : vector<16xf32> to vector<16xf32>
    tpu.vector_store %arg7[%swap3A_21], %swap3A_24 {strides = array<i32>} : memref<80xf32, #tpu.memory_space<vmem>>, vector<16xf32>,
    %broadcast_in_dim3A_25 = arith.constant 1.000000e+00 : f32
    %broadcast_in_dim3A_26 = vector.broadcast %broadcast_in_dim3A_25 : f32 to vector<16xf32>
    %swap3A_27 = arith.constant 64 : index
    %swap3A_28 = tpu.vector_load %arg7[%swap3A_27] {strides = array<i32>} : memref<80xf32, #tpu.memory_space<vmem>>, vector<16xf32>,
    %swap3A_29 = vector.shape_cast %swap3A_28 : vector<16xf32> to vector<16xf32>
    %swap3A_30 = vector.shape_cast %broadcast_in_dim3A_26 : vector<16xf32> to vector<16xf32>
    tpu.vector_store %arg7[%swap3A_27], %swap3A_30 {strides = array<i32>} : memref<80xf32, #tpu.memory_space<vmem>>, vector<16xf32>,
    %barrier3A = arith.constant 0 : index
    tpu.barrier barrier_id(%barrier3A)
    %run_scoped3A = arith.constant 0 : i32
    "tpu.region"() ({
      %run_scoped3A_54 = tpu.sem_alloc : memref<!tpu.dma_semaphore, #tpu.memory_space<semaphore_mem>>
      %dma_start3A = arith.constant 0 : i32
      %dma_start3A_55 = arith.constant 0 : i32
      %dma_start3A_56 = tpu.memref_slice %arg2[%run_scoped3A, %add3A, %dma_start3A, %dma_start3A_55] : memref<2x32x125x80xi32, #tpu.memory_space<hbm>> -> memref<1x1x125x80xi32, #tpu.memory_space<hbm>>
      %dma_start3A_57 = tpu.memref_squeeze %dma_start3A_56 : memref<1x1x125x80xi32, #tpu.memory_space<hbm>> -> memref<125x80xi32, #tpu.memory_space<hbm>>
      %dma_start3A_58 = arith.constant 0 : i32
      %dma_start3A_59 = arith.constant 0 : i32
      %dma_start3A_60 = tpu.memref_slice %arg2[%run_scoped3A, %add3A, %dma_start3A_58, %dma_start3A_59] : memref<2x32x125x80xi32, #tpu.memory_space<hbm>> -> memref<1x1x125x80xi32, #tpu.memory_space<hbm>>
      %dma_start3A_61 = tpu.memref_squeeze %dma_start3A_60 : memref<1x1x125x80xi32, #tpu.memory_space<hbm>> -> memref<125x80xi32, #tpu.memory_space<hbm>>
      tpu.enqueue_dma source(%dma_start3A_61 : memref<125x80xi32, #tpu.memory_space<hbm>>) target(%arg8 : memref<125x80xi32, #tpu.memory_space<vmem>>) target_semaphore(%run_scoped3A_54 : memref<!tpu.dma_semaphore, #tpu.memory_space<semaphore_mem>>)
      %dma_wait3A = arith.constant 0 : i32
      %dma_wait3A_62 = arith.constant 0 : i32
      %dma_wait3A_63 = tpu.memref_slice %arg2[%run_scoped3A, %add3A, %dma_wait3A, %dma_wait3A_62] : memref<2x32x125x80xi32, #tpu.memory_space<hbm>> -> memref<1x1x125x80xi32, #tpu.memory_space<hbm>>
      %dma_wait3A_64 = tpu.memref_squeeze %dma_wait3A_63 : memref<1x1x125x80xi32, #tpu.memory_space<hbm>> -> memref<125x80xi32, #tpu.memory_space<hbm>>
      %dma_wait3A_65 = arith.constant 0 : i32
      %dma_wait3A_66 = arith.constant 0 : i32
      %dma_wait3A_67 = tpu.memref_slice %arg2[%run_scoped3A, %add3A, %dma_wait3A_65, %dma_wait3A_66] : memref<2x32x125x80xi32, #tpu.memory_space<hbm>> -> memref<1x1x125x80xi32, #tpu.memory_space<hbm>>
      %dma_wait3A_68 = tpu.memref_squeeze %dma_wait3A_67 : memref<1x1x125x80xi32, #tpu.memory_space<hbm>> -> memref<125x80xi32, #tpu.memory_space<hbm>>
      tpu.wait_dma2 semaphore(%run_scoped3A_54 : memref<!tpu.dma_semaphore, #tpu.memory_space<semaphore_mem>>) src(%dma_wait3A_68 : memref<125x80xi32, #tpu.memory_space<hbm>>) dst(%arg8 : memref<125x80xi32, #tpu.memory_space<vmem>>)
      tpu.yield
    }) : () -> ()
    %run_scoped3A_31 = arith.constant 1 : i32
    "tpu.region"() ({
      %run_scoped3A_54 = tpu.sem_alloc : memref<!tpu.dma_semaphore, #tpu.memory_space<semaphore_mem>>
      %dma_start3A = arith.constant 0 : i32
      %dma_start3A_55 = arith.constant 0 : i32
      %dma_start3A_56 = tpu.memref_slice %arg2[%run_scoped3A_31, %add3A, %dma_start3A, %dma_start3A_55] : memref<2x32x125x80xi32, #tpu.memory_space<hbm>> -> memref<1x1x125x80xi32, #tpu.memory_space<hbm>>
      %dma_start3A_57 = tpu.memref_squeeze %dma_start3A_56 : memref<1x1x125x80xi32, #tpu.memory_space<hbm>> -> memref<125x80xi32, #tpu.memory_space<hbm>>
      %dma_start3A_58 = arith.constant 0 : i32
      %dma_start3A_59 = arith.constant 0 : i32
      %dma_start3A_60 = tpu.memref_slice %arg2[%run_scoped3A_31, %add3A, %dma_start3A_58, %dma_start3A_59] : memref<2x32x125x80xi32, #tpu.memory_space<hbm>> -> memref<1x1x125x80xi32, #tpu.memory_space<hbm>>
      %dma_start3A_61 = tpu.memref_squeeze %dma_start3A_60 : memref<1x1x125x80xi32, #tpu.memory_space<hbm>> -> memref<125x80xi32, #tpu.memory_space<hbm>>
      tpu.enqueue_dma source(%dma_start3A_61 : memref<125x80xi32, #tpu.memory_space<hbm>>) target(%arg9 : memref<125x80xi32, #tpu.memory_space<vmem>>) target_semaphore(%run_scoped3A_54 : memref<!tpu.dma_semaphore, #tpu.memory_space<semaphore_mem>>)
      %dma_wait3A = arith.constant 0 : i32
      %dma_wait3A_62 = arith.constant 0 : i32
      %dma_wait3A_63 = tpu.memref_slice %arg2[%run_scoped3A_31, %add3A, %dma_wait3A, %dma_wait3A_62] : memref<2x32x125x80xi32, #tpu.memory_space<hbm>> -> memref<1x1x125x80xi32, #tpu.memory_space<hbm>>
      %dma_wait3A_64 = tpu.memref_squeeze %dma_wait3A_63 : memref<1x1x125x80xi32, #tpu.memory_space<hbm>> -> memref<125x80xi32, #tpu.memory_space<hbm>>
      %dma_wait3A_65 = arith.constant 0 : i32
      %dma_wait3A_66 = arith.constant 0 : i32
      %dma_wait3A_67 = tpu.memref_slice %arg2[%run_scoped3A_31, %add3A, %dma_wait3A_65, %dma_wait3A_66] : memref<2x32x125x80xi32, #tpu.memory_space<hbm>> -> memref<1x1x125x80xi32, #tpu.memory_space<hbm>>
      %dma_wait3A_68 = tpu.memref_squeeze %dma_wait3A_67 : memref<1x1x125x80xi32, #tpu.memory_space<hbm>> -> memref<125x80xi32, #tpu.memory_space<hbm>>
      tpu.wait_dma2 semaphore(%run_scoped3A_54 : memref<!tpu.dma_semaphore, #tpu.memory_space<semaphore_mem>>) src(%dma_wait3A_68 : memref<125x80xi32, #tpu.memory_space<hbm>>) dst(%arg9 : memref<125x80xi32, #tpu.memory_space<vmem>>)
      tpu.yield
    }) : () -> ()
    %scan3A = arith.constant 0 : i32
    %scan3A_32 = arith.constant 0 : i32
    %scan3A_33 = arith.constant 125 : i32
    %scan3A_34 = arith.addi %scan3A_32, %scan3A_33 : i32
    %scan3A_35 = arith.constant 1 : i32
    scf.for %scan3A_54 = %scan3A_32 to %scan3A_34 step %scan3A_35  : i32 {
      "tpu.region"() ({
        %run_scoped3A_55 = tpu.sem_alloc : memref<!tpu.dma_semaphore, #tpu.memory_space<semaphore_mem>>
        %dma_start3A = arith.constant 0 : i32
        %dma_start3A_56 = tpu.memref_slice %arg8[%scan3A_54, %dma_start3A] : memref<125x80xi32, #tpu.memory_space<vmem>> -> memref<1x80xi32, #tpu.memory_space<vmem>>
        %dma_start3A_57 = tpu.memref_squeeze %dma_start3A_56 : memref<1x80xi32, #tpu.memory_space<vmem>> -> memref<80xi32, #tpu.memory_space<vmem>>
        %dma_start3A_58 = arith.constant 0 : i32
        %dma_start3A_59 = tpu.memref_slice %arg5[%dma_start3A_58] : memref<10240xf32, #tpu.memory_space<vmem_shared>> -> memref<10240xf32, #tpu.memory_space<vmem_shared>>
        tpu.enqueue_indirect_dma source(%arg7 : memref<80xf32, #tpu.memory_space<vmem>>) target(%dma_start3A_59 : memref<10240xf32, #tpu.memory_space<vmem_shared>>) offsets(%dma_start3A_57 : memref<80xi32, #tpu.memory_space<vmem>>) semaphore(%run_scoped3A_55 : memref<!tpu.dma_semaphore, #tpu.memory_space<semaphore_mem>>) {add = true}
        %dma_wait3A = arith.constant 0 : i32
        %dma_wait3A_60 = tpu.memref_slice %arg8[%scan3A_54, %dma_wait3A] : memref<125x80xi32, #tpu.memory_space<vmem>> -> memref<1x80xi32, #tpu.memory_space<vmem>>
        %dma_wait3A_61 = tpu.memref_squeeze %dma_wait3A_60 : memref<1x80xi32, #tpu.memory_space<vmem>> -> memref<80xi32, #tpu.memory_space<vmem>>
        %dma_wait3A_62 = arith.constant 0 : i32
        %dma_wait3A_63 = tpu.memref_slice %arg5[%dma_wait3A_62] : memref<10240xf32, #tpu.memory_space<vmem_shared>> -> memref<10240xf32, #tpu.memory_space<vmem_shared>>
        tpu.wait_indirect_dma semaphore(%run_scoped3A_55 : memref<!tpu.dma_semaphore, #tpu.memory_space<semaphore_mem>>) src(%arg7 : memref<80xf32, #tpu.memory_space<vmem>>) dst(%dma_wait3A_63 : memref<10240xf32, #tpu.memory_space<vmem_shared>>)
        tpu.yield
      }) : () -> ()
    }
    %scan3A_36 = arith.constant 125 : i32
    %scan3A_37 = arith.constant 0 : i32
    %scan3A_38 = arith.constant 0 : i32
    %scan3A_39 = arith.constant 125 : i32
    %scan3A_40 = arith.addi %scan3A_38, %scan3A_39 : i32
    %scan3A_41 = arith.constant 1 : i32
    scf.for %scan3A_54 = %scan3A_38 to %scan3A_40 step %scan3A_41  : i32 {
      "tpu.region"() ({
        %run_scoped3A_55 = tpu.sem_alloc : memref<!tpu.dma_semaphore, #tpu.memory_space<semaphore_mem>>
        %dma_start3A = arith.constant 0 : i32
        %dma_start3A_56 = tpu.memref_slice %arg9[%scan3A_54, %dma_start3A] : memref<125x80xi32, #tpu.memory_space<vmem>> -> memref<1x80xi32, #tpu.memory_space<vmem>>
        %dma_start3A_57 = tpu.memref_squeeze %dma_start3A_56 : memref<1x80xi32, #tpu.memory_space<vmem>> -> memref<80xi32, #tpu.memory_space<vmem>>
        %dma_start3A_58 = arith.constant 0 : i32
        %dma_start3A_59 = tpu.memref_slice %arg6[%dma_start3A_58] : memref<10240xf32, #tpu.memory_space<vmem_shared>> -> memref<10240xf32, #tpu.memory_space<vmem_shared>>
        tpu.enqueue_indirect_dma source(%arg7 : memref<80xf32, #tpu.memory_space<vmem>>) target(%dma_start3A_59 : memref<10240xf32, #tpu.memory_space<vmem_shared>>) offsets(%dma_start3A_57 : memref<80xi32, #tpu.memory_space<vmem>>) semaphore(%run_scoped3A_55 : memref<!tpu.dma_semaphore, #tpu.memory_space<semaphore_mem>>) {add = true}
        %dma_wait3A = arith.constant 0 : i32
        %dma_wait3A_60 = tpu.memref_slice %arg9[%scan3A_54, %dma_wait3A] : memref<125x80xi32, #tpu.memory_space<vmem>> -> memref<1x80xi32, #tpu.memory_space<vmem>>
        %dma_wait3A_61 = tpu.memref_squeeze %dma_wait3A_60 : memref<1x80xi32, #tpu.memory_space<vmem>> -> memref<80xi32, #tpu.memory_space<vmem>>
        %dma_wait3A_62 = arith.constant 0 : i32
        %dma_wait3A_63 = tpu.memref_slice %arg6[%dma_wait3A_62] : memref<10240xf32, #tpu.memory_space<vmem_shared>> -> memref<10240xf32, #tpu.memory_space<vmem_shared>>
        tpu.wait_indirect_dma semaphore(%run_scoped3A_55 : memref<!tpu.dma_semaphore, #tpu.memory_space<semaphore_mem>>) src(%arg7 : memref<80xf32, #tpu.memory_space<vmem>>) dst(%dma_wait3A_63 : memref<10240xf32, #tpu.memory_space<vmem_shared>>)
        tpu.yield
      }) : () -> ()
    }
    %scan3A_42 = arith.constant 125 : i32
    %barrier3A_43 = arith.constant 0 : index
    tpu.barrier barrier_id(%barrier3A_43)
    %mul3A_44 = arith.constant 640 : i32
    %mul3A_45 = arith.muli %arg1, %mul3A_44 : i32
    %mul3A_46 = arith.constant 10240 : i32
    %mul3A_47 = arith.muli %arg0, %mul3A_46 : i32
    %add3A_48 = arith.addi %mul3A_47, %mul3A_45 : i32
    "tpu.region"() ({
      %run_scoped3A_54 = tpu.sem_alloc : memref<!tpu.dma_semaphore, #tpu.memory_space<semaphore_mem>>
      %dma_start3A = tpu.memref_slice %arg4[%add3A_48] : memref<40960xf32, #tpu.memory_space<hbm>> -> memref<640xf32, #tpu.memory_space<hbm>>
      %dma_start3A_55 = tpu.memref_slice %arg5[%mul3A_2] : memref<10240xf32, #tpu.memory_space<vmem_shared>> -> memref<640xf32, #tpu.memory_space<vmem_shared>>
      tpu.enqueue_dma source(%dma_start3A_55 : memref<640xf32, #tpu.memory_space<vmem_shared>>) target(%dma_start3A : memref<640xf32, #tpu.memory_space<hbm>>) target_semaphore(%run_scoped3A_54 : memref<!tpu.dma_semaphore, #tpu.memory_space<semaphore_mem>>)
      %dma_wait3A = tpu.memref_slice %arg4[%add3A_48] : memref<40960xf32, #tpu.memory_space<hbm>> -> memref<640xf32, #tpu.memory_space<hbm>>
      %dma_wait3A_56 = tpu.memref_slice %arg5[%mul3A_2] : memref<10240xf32, #tpu.memory_space<vmem_shared>> -> memref<640xf32, #tpu.memory_space<vmem_shared>>
      tpu.wait_dma2 semaphore(%run_scoped3A_54 : memref<!tpu.dma_semaphore, #tpu.memory_space<semaphore_mem>>) src(%dma_wait3A_56 : memref<640xf32, #tpu.memory_space<vmem_shared>>) dst(%dma_wait3A : memref<640xf32, #tpu.memory_space<hbm>>)
      tpu.yield
    }) : () -> ()
    %add3A_49 = arith.constant 2 : i32
    %add3A_50 = arith.addi %add3A_49, %arg0 : i32
    %mul3A_51 = arith.constant 10240 : i32
    %mul3A_52 = arith.muli %add3A_50, %mul3A_51 : i32
    %add3A_53 = arith.addi %mul3A_52, %mul3A_45 : i32
    "tpu.region"() ({
      %run_scoped3A_54 = tpu.sem_alloc : memref<!tpu.dma_semaphore, #tpu.memory_space<semaphore_mem>>
      %dma_start3A = tpu.memref_slice %arg4[%add3A_53] : memref<40960xf32, #tpu.memory_space<hbm>> -> memref<640xf32, #tpu.memory_space<hbm>>
      %dma_start3A_55 = tpu.memref_slice %arg6[%mul3A_2] : memref<10240xf32, #tpu.memory_space<vmem_shared>> -> memref<640xf32, #tpu.memory_space<vmem_shared>>
      tpu.enqueue_dma source(%dma_start3A_55 : memref<640xf32, #tpu.memory_space<vmem_shared>>) target(%dma_start3A : memref<640xf32, #tpu.memory_space<hbm>>) target_semaphore(%run_scoped3A_54 : memref<!tpu.dma_semaphore, #tpu.memory_space<semaphore_mem>>)
      %dma_wait3A = tpu.memref_slice %arg4[%add3A_53] : memref<40960xf32, #tpu.memory_space<hbm>> -> memref<640xf32, #tpu.memory_space<hbm>>
      %dma_wait3A_56 = tpu.memref_slice %arg6[%mul3A_2] : memref<10240xf32, #tpu.memory_space<vmem_shared>> -> memref<640xf32, #tpu.memory_space<vmem_shared>>
      tpu.wait_dma2 semaphore(%run_scoped3A_54 : memref<!tpu.dma_semaphore, #tpu.memory_space<semaphore_mem>>) src(%dma_wait3A_56 : memref<640xf32, #tpu.memory_space<vmem_shared>>) dst(%dma_wait3A : memref<640xf32, #tpu.memory_space<hbm>>)
      tpu.yield
    }) : () -> ()
    return
  }
}

#map = affine_map<(d0, d1) -> (0, 0, 0, 0)>
#map1 = affine_map<(d0, d1) -> (0, 0)>
#map2 = affine_map<(d0, d1) -> (0, 0, 0)>
module attributes {stable_mosaic.version = 14 : i64} {
  func.func @body(%arg0: i32, %arg1: i32, %arg2: memref<2x32x125x80xi32, #tpu.memory_space<hbm>>, %arg3: memref<10000x128xf32, #tpu.memory_space<hbm>>, %arg4: memref<10240x128xf32, #tpu.memory_space<hbm>>, %arg5: memref<2x10240x128xf32, #tpu.memory_space<hbm>>, %arg6: memref<10240x128xf32, #tpu.memory_space<vmem_shared>>, %arg7: memref<125x80xi32, #tpu.memory_space<vmem>>, %arg8: memref<1x80xi32, #tpu.memory_space<vmem>>, %arg9: memref<1x80xi32, #tpu.memory_space<vmem>>, %arg10: memref<1x80xi32, #tpu.memory_space<vmem>>, %arg11: memref<80x128xf32, #tpu.memory_space<vmem>>, %arg12: memref<80x128xf32, #tpu.memory_space<vmem>>, %arg13: memref<80x128xf32, #tpu.memory_space<vmem>>, %arg14: memref<!tpu.dma_semaphore, #tpu.memory_space<semaphore_mem>>, %arg15: memref<!tpu.dma_semaphore, #tpu.memory_space<semaphore_mem>>, %arg16: memref<!tpu.dma_semaphore, #tpu.memory_space<semaphore_mem>>, %arg17: memref<!tpu.dma_semaphore, #tpu.memory_space<semaphore_mem>>, %arg18: memref<!tpu.dma_semaphore, #tpu.memory_space<semaphore_mem>>, %arg19: memref<!tpu.dma_semaphore, #tpu.memory_space<semaphore_mem>>, %arg20: memref<!tpu.dma_semaphore, #tpu.memory_space<semaphore_mem>>, %arg21: memref<!tpu.dma_semaphore, #tpu.memory_space<semaphore_mem>>, %arg22: memref<!tpu.dma_semaphore, #tpu.memory_space<semaphore_mem>>) attributes {dimension_semantics = [#tpu.dimension_semantics<core_parallel>, #tpu.dimension_semantics<subcore_parallel>], iteration_bounds = array<i64: 2, 16>, scalar_prefetch = 0 : i64, scratch_operands = 17 : i64, tpu.core_type = #tpu.core_type<sc_vector_subcore>, window_params = [{transform_indices = #map}, {transform_indices = #map1}, {transform_indices = #map1}, {transform_indices = #map2}]} {
    %mul3A = arith.constant 2 : i32
    %mul3A_0 = arith.muli %arg1, %mul3A : i32
    %add3A = arith.addi %mul3A_0, %arg0 : i32
    %mul3A_1 = arith.constant 640 : i32
    %mul3A_2 = arith.muli %arg1, %mul3A_1 : i32
    "tpu.region"() ({
      %run_scoped3A_106 = tpu.sem_alloc : memref<!tpu.dma_semaphore, #tpu.memory_space<semaphore_mem>>
      %dma_start3A_107 = arith.constant 0 : i32
      %dma_start3A_108 = tpu.memref_slice %arg6[%mul3A_2, %dma_start3A_107] : memref<10240x128xf32, #tpu.memory_space<vmem_shared>> -> memref<640x128xf32, #tpu.memory_space<vmem_shared>>
      %dma_start3A_109 = arith.constant 0 : i32
      %dma_start3A_110 = tpu.memref_slice %arg4[%mul3A_2, %dma_start3A_109] : memref<10240x128xf32, #tpu.memory_space<hbm>> -> memref<640x128xf32, #tpu.memory_space<hbm>>
      tpu.enqueue_dma source(%dma_start3A_110 : memref<640x128xf32, #tpu.memory_space<hbm>>) target(%dma_start3A_108 : memref<640x128xf32, #tpu.memory_space<vmem_shared>>) target_semaphore(%run_scoped3A_106 : memref<!tpu.dma_semaphore, #tpu.memory_space<semaphore_mem>>)
      %dma_wait3A_111 = arith.constant 0 : i32
      %dma_wait3A_112 = tpu.memref_slice %arg6[%mul3A_2, %dma_wait3A_111] : memref<10240x128xf32, #tpu.memory_space<vmem_shared>> -> memref<640x128xf32, #tpu.memory_space<vmem_shared>>
      %dma_wait3A_113 = arith.constant 0 : i32
      %dma_wait3A_114 = tpu.memref_slice %arg4[%mul3A_2, %dma_wait3A_113] : memref<10240x128xf32, #tpu.memory_space<hbm>> -> memref<640x128xf32, #tpu.memory_space<hbm>>
      tpu.wait_dma2 semaphore(%run_scoped3A_106 : memref<!tpu.dma_semaphore, #tpu.memory_space<semaphore_mem>>) src(%dma_wait3A_114 : memref<640x128xf32, #tpu.memory_space<hbm>>) dst(%dma_wait3A_112 : memref<640x128xf32, #tpu.memory_space<vmem_shared>>)
      tpu.yield
    }) : () -> ()
    %run_scoped3A = arith.constant 0 : i32
    "tpu.region"() ({
      %run_scoped3A_106 = tpu.sem_alloc : memref<!tpu.dma_semaphore, #tpu.memory_space<semaphore_mem>>
      %dma_start3A_107 = arith.constant 0 : i32
      %dma_start3A_108 = arith.constant 0 : i32
      %dma_start3A_109 = tpu.memref_slice %arg2[%run_scoped3A, %add3A, %dma_start3A_107, %dma_start3A_108] : memref<2x32x125x80xi32, #tpu.memory_space<hbm>> -> memref<1x1x125x80xi32, #tpu.memory_space<hbm>>
      %dma_start3A_110 = tpu.memref_squeeze %dma_start3A_109 : memref<1x1x125x80xi32, #tpu.memory_space<hbm>> -> memref<125x80xi32, #tpu.memory_space<hbm>>
      %dma_start3A_111 = arith.constant 0 : i32
      %dma_start3A_112 = arith.constant 0 : i32
      %dma_start3A_113 = tpu.memref_slice %arg2[%run_scoped3A, %add3A, %dma_start3A_111, %dma_start3A_112] : memref<2x32x125x80xi32, #tpu.memory_space<hbm>> -> memref<1x1x125x80xi32, #tpu.memory_space<hbm>>
      %dma_start3A_114 = tpu.memref_squeeze %dma_start3A_113 : memref<1x1x125x80xi32, #tpu.memory_space<hbm>> -> memref<125x80xi32, #tpu.memory_space<hbm>>
      tpu.enqueue_dma source(%dma_start3A_114 : memref<125x80xi32, #tpu.memory_space<hbm>>) target(%arg7 : memref<125x80xi32, #tpu.memory_space<vmem>>) target_semaphore(%run_scoped3A_106 : memref<!tpu.dma_semaphore, #tpu.memory_space<semaphore_mem>>)
      %dma_wait3A_115 = arith.constant 0 : i32
      %dma_wait3A_116 = arith.constant 0 : i32
      %dma_wait3A_117 = tpu.memref_slice %arg2[%run_scoped3A, %add3A, %dma_wait3A_115, %dma_wait3A_116] : memref<2x32x125x80xi32, #tpu.memory_space<hbm>> -> memref<1x1x125x80xi32, #tpu.memory_space<hbm>>
      %dma_wait3A_118 = tpu.memref_squeeze %dma_wait3A_117 : memref<1x1x125x80xi32, #tpu.memory_space<hbm>> -> memref<125x80xi32, #tpu.memory_space<hbm>>
      %dma_wait3A_119 = arith.constant 0 : i32
      %dma_wait3A_120 = arith.constant 0 : i32
      %dma_wait3A_121 = tpu.memref_slice %arg2[%run_scoped3A, %add3A, %dma_wait3A_119, %dma_wait3A_120] : memref<2x32x125x80xi32, #tpu.memory_space<hbm>> -> memref<1x1x125x80xi32, #tpu.memory_space<hbm>>
      %dma_wait3A_122 = tpu.memref_squeeze %dma_wait3A_121 : memref<1x1x125x80xi32, #tpu.memory_space<hbm>> -> memref<125x80xi32, #tpu.memory_space<hbm>>
      tpu.wait_dma2 semaphore(%run_scoped3A_106 : memref<!tpu.dma_semaphore, #tpu.memory_space<semaphore_mem>>) src(%dma_wait3A_122 : memref<125x80xi32, #tpu.memory_space<hbm>>) dst(%arg7 : memref<125x80xi32, #tpu.memory_space<vmem>>)
      tpu.yield
    }) : () -> ()
    %barrier3A = arith.constant 0 : index
    tpu.barrier barrier_id(%barrier3A)
    %dma_start3A = arith.constant 1 : i32
    %dma_start3A_3 = arith.constant 0 : i32
    %dma_start3A_4 = arith.constant 0 : i32
    %dma_start3A_5 = tpu.memref_slice %arg2[%dma_start3A, %add3A, %dma_start3A_3, %dma_start3A_4] : memref<2x32x125x80xi32, #tpu.memory_space<hbm>> -> memref<1x1x1x80xi32, #tpu.memory_space<hbm>>
    %dma_start3A_6 = tpu.memref_squeeze %dma_start3A_5 : memref<1x1x1x80xi32, #tpu.memory_space<hbm>> -> memref<1x80xi32, #tpu.memory_space<hbm>>
    %dma_start3A_7 = arith.constant 0 : i32
    %dma_start3A_8 = arith.constant 0 : i32
    %dma_start3A_9 = tpu.memref_slice %arg2[%dma_start3A, %add3A, %dma_start3A_7, %dma_start3A_8] : memref<2x32x125x80xi32, #tpu.memory_space<hbm>> -> memref<1x1x1x80xi32, #tpu.memory_space<hbm>>
    %dma_start3A_10 = tpu.memref_squeeze %dma_start3A_9 : memref<1x1x1x80xi32, #tpu.memory_space<hbm>> -> memref<1x80xi32, #tpu.memory_space<hbm>>
    tpu.enqueue_dma source(%dma_start3A_10 : memref<1x80xi32, #tpu.memory_space<hbm>>) target(%arg8 : memref<1x80xi32, #tpu.memory_space<vmem>>) target_semaphore(%arg17 : memref<!tpu.dma_semaphore, #tpu.memory_space<semaphore_mem>>)
    %dma_start3A_11 = arith.constant 0 : i32
    %dma_start3A_12 = arith.constant 0 : i32
    %dma_start3A_13 = tpu.memref_slice %arg7[%dma_start3A_11, %dma_start3A_12] : memref<125x80xi32, #tpu.memory_space<vmem>> -> memref<1x80xi32, #tpu.memory_space<vmem>>
    %dma_start3A_14 = tpu.memref_squeeze %dma_start3A_13 : memref<1x80xi32, #tpu.memory_space<vmem>> -> memref<80xi32, #tpu.memory_space<vmem>>
    %dma_start3A_15 = arith.constant 0 : i32
    %dma_start3A_16 = arith.constant 0 : i32
    %dma_start3A_17 = tpu.memref_slice %arg3[%dma_start3A_15, %dma_start3A_16] : memref<10000x128xf32, #tpu.memory_space<hbm>> -> memref<10000x128xf32, #tpu.memory_space<hbm>>
    tpu.enqueue_indirect_dma source(%dma_start3A_17 : memref<10000x128xf32, #tpu.memory_space<hbm>>) target(%arg11 : memref<80x128xf32, #tpu.memory_space<vmem>>) offsets(%dma_start3A_14 : memref<80xi32, #tpu.memory_space<vmem>>) semaphore(%arg14 : memref<!tpu.dma_semaphore, #tpu.memory_space<semaphore_mem>>)
    %dma_start3A_18 = arith.constant 1 : i32
    %dma_start3A_19 = arith.constant 1 : i32
    %dma_start3A_20 = arith.constant 0 : i32
    %dma_start3A_21 = tpu.memref_slice %arg2[%dma_start3A_18, %add3A, %dma_start3A_19, %dma_start3A_20] : memref<2x32x125x80xi32, #tpu.memory_space<hbm>> -> memref<1x1x1x80xi32, #tpu.memory_space<hbm>>
    %dma_start3A_22 = tpu.memref_squeeze %dma_start3A_21 : memref<1x1x1x80xi32, #tpu.memory_space<hbm>> -> memref<1x80xi32, #tpu.memory_space<hbm>>
    %dma_start3A_23 = arith.constant 1 : i32
    %dma_start3A_24 = arith.constant 0 : i32
    %dma_start3A_25 = tpu.memref_slice %arg2[%dma_start3A_18, %add3A, %dma_start3A_23, %dma_start3A_24] : memref<2x32x125x80xi32, #tpu.memory_space<hbm>> -> memref<1x1x1x80xi32, #tpu.memory_space<hbm>>
    %dma_start3A_26 = tpu.memref_squeeze %dma_start3A_25 : memref<1x1x1x80xi32, #tpu.memory_space<hbm>> -> memref<1x80xi32, #tpu.memory_space<hbm>>
    tpu.enqueue_dma source(%dma_start3A_26 : memref<1x80xi32, #tpu.memory_space<hbm>>) target(%arg9 : memref<1x80xi32, #tpu.memory_space<vmem>>) target_semaphore(%arg18 : memref<!tpu.dma_semaphore, #tpu.memory_space<semaphore_mem>>)
    %dma_start3A_27 = arith.constant 1 : i32
    %dma_start3A_28 = arith.constant 0 : i32
    %dma_start3A_29 = tpu.memref_slice %arg7[%dma_start3A_27, %dma_start3A_28] : memref<125x80xi32, #tpu.memory_space<vmem>> -> memref<1x80xi32, #tpu.memory_space<vmem>>
    %dma_start3A_30 = tpu.memref_squeeze %dma_start3A_29 : memref<1x80xi32, #tpu.memory_space<vmem>> -> memref<80xi32, #tpu.memory_space<vmem>>
    %dma_start3A_31 = arith.constant 0 : i32
    %dma_start3A_32 = arith.constant 0 : i32
    %dma_start3A_33 = tpu.memref_slice %arg3[%dma_start3A_31, %dma_start3A_32] : memref<10000x128xf32, #tpu.memory_space<hbm>> -> memref<10000x128xf32, #tpu.memory_space<hbm>>
    tpu.enqueue_indirect_dma source(%dma_start3A_33 : memref<10000x128xf32, #tpu.memory_space<hbm>>) target(%arg12 : memref<80x128xf32, #tpu.memory_space<vmem>>) offsets(%dma_start3A_30 : memref<80xi32, #tpu.memory_space<vmem>>) semaphore(%arg15 : memref<!tpu.dma_semaphore, #tpu.memory_space<semaphore_mem>>)
    %scan3A = arith.constant 0 : i32
    %scan3A_34 = arith.constant 0 : i32
    %scan3A_35 = arith.constant 41 : i32
    %scan3A_36 = arith.addi %scan3A_34, %scan3A_35 : i32
    %scan3A_37 = arith.constant 1 : i32
    scf.for %scan3A_106 = %scan3A_34 to %scan3A_36 step %scan3A_37  : i32 {
      %mul3A_107 = arith.constant 3 : i32
      %mul3A_108 = arith.muli %scan3A_106, %mul3A_107 : i32
      %add3A_109 = arith.constant 0 : i32
      %add3A_110 = arith.addi %mul3A_108, %add3A_109 : i32
      %dma_wait3A_111 = arith.constant 1 : i32
      %dma_wait3A_112 = arith.constant 0 : i32
      %dma_wait3A_113 = tpu.memref_slice %arg2[%dma_wait3A_111, %add3A, %add3A_110, %dma_wait3A_112] : memref<2x32x125x80xi32, #tpu.memory_space<hbm>> -> memref<1x1x1x80xi32, #tpu.memory_space<hbm>>
      %dma_wait3A_114 = tpu.memref_squeeze %dma_wait3A_113 : memref<1x1x1x80xi32, #tpu.memory_space<hbm>> -> memref<1x80xi32, #tpu.memory_space<hbm>>
      %dma_wait3A_115 = arith.constant 0 : i32
      %dma_wait3A_116 = tpu.memref_slice %arg2[%dma_wait3A_111, %add3A, %add3A_110, %dma_wait3A_115] : memref<2x32x125x80xi32, #tpu.memory_space<hbm>> -> memref<1x1x1x80xi32, #tpu.memory_space<hbm>>
      %dma_wait3A_117 = tpu.memref_squeeze %dma_wait3A_116 : memref<1x1x1x80xi32, #tpu.memory_space<hbm>> -> memref<1x80xi32, #tpu.memory_space<hbm>>
      tpu.wait_dma2 semaphore(%arg17 : memref<!tpu.dma_semaphore, #tpu.memory_space<semaphore_mem>>) src(%dma_wait3A_117 : memref<1x80xi32, #tpu.memory_space<hbm>>) dst(%arg8 : memref<1x80xi32, #tpu.memory_space<vmem>>)
      %dma_wait3A_118 = arith.constant 0 : i32
      %dma_wait3A_119 = tpu.memref_slice %arg7[%add3A_110, %dma_wait3A_118] : memref<125x80xi32, #tpu.memory_space<vmem>> -> memref<1x80xi32, #tpu.memory_space<vmem>>
      %dma_wait3A_120 = tpu.memref_squeeze %dma_wait3A_119 : memref<1x80xi32, #tpu.memory_space<vmem>> -> memref<80xi32, #tpu.memory_space<vmem>>
      %dma_wait3A_121 = arith.constant 0 : i32
      %dma_wait3A_122 = arith.constant 0 : i32
      %dma_wait3A_123 = tpu.memref_slice %arg3[%dma_wait3A_121, %dma_wait3A_122] : memref<10000x128xf32, #tpu.memory_space<hbm>> -> memref<10000x128xf32, #tpu.memory_space<hbm>>
      tpu.wait_indirect_dma semaphore(%arg14 : memref<!tpu.dma_semaphore, #tpu.memory_space<semaphore_mem>>) src(%dma_wait3A_123 : memref<10000x128xf32, #tpu.memory_space<hbm>>) dst(%arg11 : memref<80x128xf32, #tpu.memory_space<vmem>>)
      %dma_start3A_124 = arith.constant 0 : i32
      %dma_start3A_125 = arith.constant 0 : i32
      %dma_start3A_126 = tpu.memref_slice %arg8[%dma_start3A_124, %dma_start3A_125] : memref<1x80xi32, #tpu.memory_space<vmem>> -> memref<1x80xi32, #tpu.memory_space<vmem>>
      %dma_start3A_127 = tpu.memref_squeeze %dma_start3A_126 : memref<1x80xi32, #tpu.memory_space<vmem>> -> memref<80xi32, #tpu.memory_space<vmem>>
      %dma_start3A_128 = arith.constant 0 : i32
      %dma_start3A_129 = arith.constant 0 : i32
      %dma_start3A_130 = tpu.memref_slice %arg6[%dma_start3A_128, %dma_start3A_129] : memref<10240x128xf32, #tpu.memory_space<vmem_shared>> -> memref<10240x128xf32, #tpu.memory_space<vmem_shared>>
      tpu.enqueue_indirect_dma source(%arg11 : memref<80x128xf32, #tpu.memory_space<vmem>>) target(%dma_start3A_130 : memref<10240x128xf32, #tpu.memory_space<vmem_shared>>) offsets(%dma_start3A_127 : memref<80xi32, #tpu.memory_space<vmem>>) semaphore(%arg20 : memref<!tpu.dma_semaphore, #tpu.memory_space<semaphore_mem>>) {add = true}
      %add3A_131 = arith.constant 2 : i32
      %add3A_132 = arith.addi %add3A_110, %add3A_131 : i32
      %lt3A = arith.constant 125 : i32
      %lt3A_133 = arith.cmpi slt, %add3A_132, %lt3A : i32
      %convert_element_type3A = arith.extui %lt3A_133 : i1 to i32
      %cond3A = arith.constant 0 : i32
      %cond3A_134 = arith.cmpi ne, %convert_element_type3A, %cond3A : i32
      scf.if %cond3A_134 {
        %ge3A = arith.constant 1 : i32
        %ge3A_197 = arith.cmpi sge, %add3A_110, %ge3A : i32
        %convert_element_type3A_198 = arith.extui %ge3A_197 : i1 to i32
        %cond3A_199 = arith.constant 0 : i32
        %cond3A_200 = arith.cmpi ne, %convert_element_type3A_198, %cond3A_199 : i32
        scf.if %cond3A_200 {
          %dma_wait3A_216 = arith.constant 0 : i32
          %dma_wait3A_217 = arith.constant 0 : i32
          %dma_wait3A_218 = tpu.memref_slice %arg10[%dma_wait3A_216, %dma_wait3A_217] : memref<1x80xi32, #tpu.memory_space<vmem>> -> memref<1x80xi32, #tpu.memory_space<vmem>>
          %dma_wait3A_219 = tpu.memref_squeeze %dma_wait3A_218 : memref<1x80xi32, #tpu.memory_space<vmem>> -> memref<80xi32, #tpu.memory_space<vmem>>
          %dma_wait3A_220 = arith.constant 0 : i32
          %dma_wait3A_221 = arith.constant 0 : i32
          %dma_wait3A_222 = tpu.memref_slice %arg6[%dma_wait3A_220, %dma_wait3A_221] : memref<10240x128xf32, #tpu.memory_space<vmem_shared>> -> memref<10240x128xf32, #tpu.memory_space<vmem_shared>>
          tpu.wait_indirect_dma semaphore(%arg22 : memref<!tpu.dma_semaphore, #tpu.memory_space<semaphore_mem>>) src(%arg13 : memref<80x128xf32, #tpu.memory_space<vmem>>) dst(%dma_wait3A_222 : memref<10240x128xf32, #tpu.memory_space<vmem_shared>>)
        } else {
        }
        %add3A_201 = arith.constant 2 : i32
        %add3A_202 = arith.addi %add3A_110, %add3A_201 : i32
        %dma_start3A_203 = arith.constant 1 : i32
        %dma_start3A_204 = arith.constant 0 : i32
        %dma_start3A_205 = tpu.memref_slice %arg2[%dma_start3A_203, %add3A, %add3A_202, %dma_start3A_204] : memref<2x32x125x80xi32, #tpu.memory_space<hbm>> -> memref<1x1x1x80xi32, #tpu.memory_space<hbm>>
        %dma_start3A_206 = tpu.memref_squeeze %dma_start3A_205 : memref<1x1x1x80xi32, #tpu.memory_space<hbm>> -> memref<1x80xi32, #tpu.memory_space<hbm>>
        %dma_start3A_207 = arith.constant 0 : i32
        %dma_start3A_208 = tpu.memref_slice %arg2[%dma_start3A_203, %add3A, %add3A_202, %dma_start3A_207] : memref<2x32x125x80xi32, #tpu.memory_space<hbm>> -> memref<1x1x1x80xi32, #tpu.memory_space<hbm>>
        %dma_start3A_209 = tpu.memref_squeeze %dma_start3A_208 : memref<1x1x1x80xi32, #tpu.memory_space<hbm>> -> memref<1x80xi32, #tpu.memory_space<hbm>>
        tpu.enqueue_dma source(%dma_start3A_209 : memref<1x80xi32, #tpu.memory_space<hbm>>) target(%arg10 : memref<1x80xi32, #tpu.memory_space<vmem>>) target_semaphore(%arg19 : memref<!tpu.dma_semaphore, #tpu.memory_space<semaphore_mem>>)
        %dma_start3A_210 = arith.constant 0 : i32
        %dma_start3A_211 = tpu.memref_slice %arg7[%add3A_202, %dma_start3A_210] : memref<125x80xi32, #tpu.memory_space<vmem>> -> memref<1x80xi32, #tpu.memory_space<vmem>>
        %dma_start3A_212 = tpu.memref_squeeze %dma_start3A_211 : memref<1x80xi32, #tpu.memory_space<vmem>> -> memref<80xi32, #tpu.memory_space<vmem>>
        %dma_start3A_213 = arith.constant 0 : i32
        %dma_start3A_214 = arith.constant 0 : i32
        %dma_start3A_215 = tpu.memref_slice %arg3[%dma_start3A_213, %dma_start3A_214] : memref<10000x128xf32, #tpu.memory_space<hbm>> -> memref<10000x128xf32, #tpu.memory_space<hbm>>
        tpu.enqueue_indirect_dma source(%dma_start3A_215 : memref<10000x128xf32, #tpu.memory_space<hbm>>) target(%arg13 : memref<80x128xf32, #tpu.memory_space<vmem>>) offsets(%dma_start3A_212 : memref<80xi32, #tpu.memory_space<vmem>>) semaphore(%arg16 : memref<!tpu.dma_semaphore, #tpu.memory_space<semaphore_mem>>)
      } else {
      }
      %mul3A_135 = arith.constant 3 : i32
      %mul3A_136 = arith.muli %scan3A_106, %mul3A_135 : i32
      %add3A_137 = arith.constant 1 : i32
      %add3A_138 = arith.addi %mul3A_136, %add3A_137 : i32
      %dma_wait3A_139 = arith.constant 1 : i32
      %dma_wait3A_140 = arith.constant 0 : i32
      %dma_wait3A_141 = tpu.memref_slice %arg2[%dma_wait3A_139, %add3A, %add3A_138, %dma_wait3A_140] : memref<2x32x125x80xi32, #tpu.memory_space<hbm>> -> memref<1x1x1x80xi32, #tpu.memory_space<hbm>>
      %dma_wait3A_142 = tpu.memref_squeeze %dma_wait3A_141 : memref<1x1x1x80xi32, #tpu.memory_space<hbm>> -> memref<1x80xi32, #tpu.memory_space<hbm>>
      %dma_wait3A_143 = arith.constant 0 : i32
      %dma_wait3A_144 = tpu.memref_slice %arg2[%dma_wait3A_139, %add3A, %add3A_138, %dma_wait3A_143] : memref<2x32x125x80xi32, #tpu.memory_space<hbm>> -> memref<1x1x1x80xi32, #tpu.memory_space<hbm>>
      %dma_wait3A_145 = tpu.memref_squeeze %dma_wait3A_144 : memref<1x1x1x80xi32, #tpu.memory_space<hbm>> -> memref<1x80xi32, #tpu.memory_space<hbm>>
      tpu.wait_dma2 semaphore(%arg18 : memref<!tpu.dma_semaphore, #tpu.memory_space<semaphore_mem>>) src(%dma_wait3A_145 : memref<1x80xi32, #tpu.memory_space<hbm>>) dst(%arg9 : memref<1x80xi32, #tpu.memory_space<vmem>>)
      %dma_wait3A_146 = arith.constant 0 : i32
      %dma_wait3A_147 = tpu.memref_slice %arg7[%add3A_138, %dma_wait3A_146] : memref<125x80xi32, #tpu.memory_space<vmem>> -> memref<1x80xi32, #tpu.memory_space<vmem>>
      %dma_wait3A_148 = tpu.memref_squeeze %dma_wait3A_147 : memref<1x80xi32, #tpu.memory_space<vmem>> -> memref<80xi32, #tpu.memory_space<vmem>>
      %dma_wait3A_149 = arith.constant 0 : i32
      %dma_wait3A_150 = arith.constant 0 : i32
      %dma_wait3A_151 = tpu.memref_slice %arg3[%dma_wait3A_149, %dma_wait3A_150] : memref<10000x128xf32, #tpu.memory_space<hbm>> -> memref<10000x128xf32, #tpu.memory_space<hbm>>
      tpu.wait_indirect_dma semaphore(%arg15 : memref<!tpu.dma_semaphore, #tpu.memory_space<semaphore_mem>>) src(%dma_wait3A_151 : memref<10000x128xf32, #tpu.memory_space<hbm>>) dst(%arg12 : memref<80x128xf32, #tpu.memory_space<vmem>>)
      %dma_start3A_152 = arith.constant 0 : i32
      %dma_start3A_153 = arith.constant 0 : i32
      %dma_start3A_154 = tpu.memref_slice %arg9[%dma_start3A_152, %dma_start3A_153] : memref<1x80xi32, #tpu.memory_space<vmem>> -> memref<1x80xi32, #tpu.memory_space<vmem>>
      %dma_start3A_155 = tpu.memref_squeeze %dma_start3A_154 : memref<1x80xi32, #tpu.memory_space<vmem>> -> memref<80xi32, #tpu.memory_space<vmem>>
      %dma_start3A_156 = arith.constant 0 : i32
      %dma_start3A_157 = arith.constant 0 : i32
      %dma_start3A_158 = tpu.memref_slice %arg6[%dma_start3A_156, %dma_start3A_157] : memref<10240x128xf32, #tpu.memory_space<vmem_shared>> -> memref<10240x128xf32, #tpu.memory_space<vmem_shared>>
      tpu.enqueue_indirect_dma source(%arg12 : memref<80x128xf32, #tpu.memory_space<vmem>>) target(%dma_start3A_158 : memref<10240x128xf32, #tpu.memory_space<vmem_shared>>) offsets(%dma_start3A_155 : memref<80xi32, #tpu.memory_space<vmem>>) semaphore(%arg21 : memref<!tpu.dma_semaphore, #tpu.memory_space<semaphore_mem>>) {add = true}
      %add3A_159 = arith.constant 2 : i32
      %add3A_160 = arith.addi %add3A_138, %add3A_159 : i32
      %lt3A_161 = arith.constant 125 : i32
      %lt3A_162 = arith.cmpi slt, %add3A_160, %lt3A_161 : i32
      %convert_element_type3A_163 = arith.extui %lt3A_162 : i1 to i32
      %cond3A_164 = arith.constant 0 : i32
      %cond3A_165 = arith.cmpi ne, %convert_element_type3A_163, %cond3A_164 : i32
      scf.if %cond3A_165 {
        %ge3A = arith.constant 1 : i32
        %ge3A_197 = arith.cmpi sge, %add3A_138, %ge3A : i32
        %convert_element_type3A_198 = arith.extui %ge3A_197 : i1 to i32
        %cond3A_199 = arith.constant 0 : i32
        %cond3A_200 = arith.cmpi ne, %convert_element_type3A_198, %cond3A_199 : i32
        scf.if %cond3A_200 {
          %dma_wait3A_216 = arith.constant 0 : i32
          %dma_wait3A_217 = arith.constant 0 : i32
          %dma_wait3A_218 = tpu.memref_slice %arg8[%dma_wait3A_216, %dma_wait3A_217] : memref<1x80xi32, #tpu.memory_space<vmem>> -> memref<1x80xi32, #tpu.memory_space<vmem>>
          %dma_wait3A_219 = tpu.memref_squeeze %dma_wait3A_218 : memref<1x80xi32, #tpu.memory_space<vmem>> -> memref<80xi32, #tpu.memory_space<vmem>>
          %dma_wait3A_220 = arith.constant 0 : i32
          %dma_wait3A_221 = arith.constant 0 : i32
          %dma_wait3A_222 = tpu.memref_slice %arg6[%dma_wait3A_220, %dma_wait3A_221] : memref<10240x128xf32, #tpu.memory_space<vmem_shared>> -> memref<10240x128xf32, #tpu.memory_space<vmem_shared>>
          tpu.wait_indirect_dma semaphore(%arg20 : memref<!tpu.dma_semaphore, #tpu.memory_space<semaphore_mem>>) src(%arg11 : memref<80x128xf32, #tpu.memory_space<vmem>>) dst(%dma_wait3A_222 : memref<10240x128xf32, #tpu.memory_space<vmem_shared>>)
        } else {
        }
        %add3A_201 = arith.constant 2 : i32
        %add3A_202 = arith.addi %add3A_138, %add3A_201 : i32
        %dma_start3A_203 = arith.constant 1 : i32
        %dma_start3A_204 = arith.constant 0 : i32
        %dma_start3A_205 = tpu.memref_slice %arg2[%dma_start3A_203, %add3A, %add3A_202, %dma_start3A_204] : memref<2x32x125x80xi32, #tpu.memory_space<hbm>> -> memref<1x1x1x80xi32, #tpu.memory_space<hbm>>
        %dma_start3A_206 = tpu.memref_squeeze %dma_start3A_205 : memref<1x1x1x80xi32, #tpu.memory_space<hbm>> -> memref<1x80xi32, #tpu.memory_space<hbm>>
        %dma_start3A_207 = arith.constant 0 : i32
        %dma_start3A_208 = tpu.memref_slice %arg2[%dma_start3A_203, %add3A, %add3A_202, %dma_start3A_207] : memref<2x32x125x80xi32, #tpu.memory_space<hbm>> -> memref<1x1x1x80xi32, #tpu.memory_space<hbm>>
        %dma_start3A_209 = tpu.memref_squeeze %dma_start3A_208 : memref<1x1x1x80xi32, #tpu.memory_space<hbm>> -> memref<1x80xi32, #tpu.memory_space<hbm>>
        tpu.enqueue_dma source(%dma_start3A_209 : memref<1x80xi32, #tpu.memory_space<hbm>>) target(%arg8 : memref<1x80xi32, #tpu.memory_space<vmem>>) target_semaphore(%arg17 : memref<!tpu.dma_semaphore, #tpu.memory_space<semaphore_mem>>)
        %dma_start3A_210 = arith.constant 0 : i32
        %dma_start3A_211 = tpu.memref_slice %arg7[%add3A_202, %dma_start3A_210] : memref<125x80xi32, #tpu.memory_space<vmem>> -> memref<1x80xi32, #tpu.memory_space<vmem>>
        %dma_start3A_212 = tpu.memref_squeeze %dma_start3A_211 : memref<1x80xi32, #tpu.memory_space<vmem>> -> memref<80xi32, #tpu.memory_space<vmem>>
        %dma_start3A_213 = arith.constant 0 : i32
        %dma_start3A_214 = arith.constant 0 : i32
        %dma_start3A_215 = tpu.memref_slice %arg3[%dma_start3A_213, %dma_start3A_214] : memref<10000x128xf32, #tpu.memory_space<hbm>> -> memref<10000x128xf32, #tpu.memory_space<hbm>>
        tpu.enqueue_indirect_dma source(%dma_start3A_215 : memref<10000x128xf32, #tpu.memory_space<hbm>>) target(%arg11 : memref<80x128xf32, #tpu.memory_space<vmem>>) offsets(%dma_start3A_212 : memref<80xi32, #tpu.memory_space<vmem>>) semaphore(%arg14 : memref<!tpu.dma_semaphore, #tpu.memory_space<semaphore_mem>>)
      } else {
      }
      %mul3A_166 = arith.constant 3 : i32
      %mul3A_167 = arith.muli %scan3A_106, %mul3A_166 : i32
      %add3A_168 = arith.constant 2 : i32
      %add3A_169 = arith.addi %mul3A_167, %add3A_168 : i32
      %dma_wait3A_170 = arith.constant 1 : i32
      %dma_wait3A_171 = arith.constant 0 : i32
      %dma_wait3A_172 = tpu.memref_slice %arg2[%dma_wait3A_170, %add3A, %add3A_169, %dma_wait3A_171] : memref<2x32x125x80xi32, #tpu.memory_space<hbm>> -> memref<1x1x1x80xi32, #tpu.memory_space<hbm>>
      %dma_wait3A_173 = tpu.memref_squeeze %dma_wait3A_172 : memref<1x1x1x80xi32, #tpu.memory_space<hbm>> -> memref<1x80xi32, #tpu.memory_space<hbm>>
      %dma_wait3A_174 = arith.constant 0 : i32
      %dma_wait3A_175 = tpu.memref_slice %arg2[%dma_wait3A_170, %add3A, %add3A_169, %dma_wait3A_174] : memref<2x32x125x80xi32, #tpu.memory_space<hbm>> -> memref<1x1x1x80xi32, #tpu.memory_space<hbm>>
      %dma_wait3A_176 = tpu.memref_squeeze %dma_wait3A_175 : memref<1x1x1x80xi32, #tpu.memory_space<hbm>> -> memref<1x80xi32, #tpu.memory_space<hbm>>
      tpu.wait_dma2 semaphore(%arg19 : memref<!tpu.dma_semaphore, #tpu.memory_space<semaphore_mem>>) src(%dma_wait3A_176 : memref<1x80xi32, #tpu.memory_space<hbm>>) dst(%arg10 : memref<1x80xi32, #tpu.memory_space<vmem>>)
      %dma_wait3A_177 = arith.constant 0 : i32
      %dma_wait3A_178 = tpu.memref_slice %arg7[%add3A_169, %dma_wait3A_177] : memref<125x80xi32, #tpu.memory_space<vmem>> -> memref<1x80xi32, #tpu.memory_space<vmem>>
      %dma_wait3A_179 = tpu.memref_squeeze %dma_wait3A_178 : memref<1x80xi32, #tpu.memory_space<vmem>> -> memref<80xi32, #tpu.memory_space<vmem>>
      %dma_wait3A_180 = arith.constant 0 : i32
      %dma_wait3A_181 = arith.constant 0 : i32
      %dma_wait3A_182 = tpu.memref_slice %arg3[%dma_wait3A_180, %dma_wait3A_181] : memref<10000x128xf32, #tpu.memory_space<hbm>> -> memref<10000x128xf32, #tpu.memory_space<hbm>>
      tpu.wait_indirect_dma semaphore(%arg16 : memref<!tpu.dma_semaphore, #tpu.memory_space<semaphore_mem>>) src(%dma_wait3A_182 : memref<10000x128xf32, #tpu.memory_space<hbm>>) dst(%arg13 : memref<80x128xf32, #tpu.memory_space<vmem>>)
      %dma_start3A_183 = arith.constant 0 : i32
      %dma_start3A_184 = arith.constant 0 : i32
      %dma_start3A_185 = tpu.memref_slice %arg10[%dma_start3A_183, %dma_start3A_184] : memref<1x80xi32, #tpu.memory_space<vmem>> -> memref<1x80xi32, #tpu.memory_space<vmem>>
      %dma_start3A_186 = tpu.memref_squeeze %dma_start3A_185 : memref<1x80xi32, #tpu.memory_space<vmem>> -> memref<80xi32, #tpu.memory_space<vmem>>
      %dma_start3A_187 = arith.constant 0 : i32
      %dma_start3A_188 = arith.constant 0 : i32
      %dma_start3A_189 = tpu.memref_slice %arg6[%dma_start3A_187, %dma_start3A_188] : memref<10240x128xf32, #tpu.memory_space<vmem_shared>> -> memref<10240x128xf32, #tpu.memory_space<vmem_shared>>
      tpu.enqueue_indirect_dma source(%arg13 : memref<80x128xf32, #tpu.memory_space<vmem>>) target(%dma_start3A_189 : memref<10240x128xf32, #tpu.memory_space<vmem_shared>>) offsets(%dma_start3A_186 : memref<80xi32, #tpu.memory_space<vmem>>) semaphore(%arg22 : memref<!tpu.dma_semaphore, #tpu.memory_space<semaphore_mem>>) {add = true}
      %add3A_190 = arith.constant 2 : i32
      %add3A_191 = arith.addi %add3A_169, %add3A_190 : i32
      %lt3A_192 = arith.constant 125 : i32
      %lt3A_193 = arith.cmpi slt, %add3A_191, %lt3A_192 : i32
      %convert_element_type3A_194 = arith.extui %lt3A_193 : i1 to i32
      %cond3A_195 = arith.constant 0 : i32
      %cond3A_196 = arith.cmpi ne, %convert_element_type3A_194, %cond3A_195 : i32
      scf.if %cond3A_196 {
        %ge3A = arith.constant 1 : i32
        %ge3A_197 = arith.cmpi sge, %add3A_169, %ge3A : i32
        %convert_element_type3A_198 = arith.extui %ge3A_197 : i1 to i32
        %cond3A_199 = arith.constant 0 : i32
        %cond3A_200 = arith.cmpi ne, %convert_element_type3A_198, %cond3A_199 : i32
        scf.if %cond3A_200 {
          %dma_wait3A_216 = arith.constant 0 : i32
          %dma_wait3A_217 = arith.constant 0 : i32
          %dma_wait3A_218 = tpu.memref_slice %arg9[%dma_wait3A_216, %dma_wait3A_217] : memref<1x80xi32, #tpu.memory_space<vmem>> -> memref<1x80xi32, #tpu.memory_space<vmem>>
          %dma_wait3A_219 = tpu.memref_squeeze %dma_wait3A_218 : memref<1x80xi32, #tpu.memory_space<vmem>> -> memref<80xi32, #tpu.memory_space<vmem>>
          %dma_wait3A_220 = arith.constant 0 : i32
          %dma_wait3A_221 = arith.constant 0 : i32
          %dma_wait3A_222 = tpu.memref_slice %arg6[%dma_wait3A_220, %dma_wait3A_221] : memref<10240x128xf32, #tpu.memory_space<vmem_shared>> -> memref<10240x128xf32, #tpu.memory_space<vmem_shared>>
          tpu.wait_indirect_dma semaphore(%arg21 : memref<!tpu.dma_semaphore, #tpu.memory_space<semaphore_mem>>) src(%arg12 : memref<80x128xf32, #tpu.memory_space<vmem>>) dst(%dma_wait3A_222 : memref<10240x128xf32, #tpu.memory_space<vmem_shared>>)
        } else {
        }
        %add3A_201 = arith.constant 2 : i32
        %add3A_202 = arith.addi %add3A_169, %add3A_201 : i32
        %dma_start3A_203 = arith.constant 1 : i32
        %dma_start3A_204 = arith.constant 0 : i32
        %dma_start3A_205 = tpu.memref_slice %arg2[%dma_start3A_203, %add3A, %add3A_202, %dma_start3A_204] : memref<2x32x125x80xi32, #tpu.memory_space<hbm>> -> memref<1x1x1x80xi32, #tpu.memory_space<hbm>>
        %dma_start3A_206 = tpu.memref_squeeze %dma_start3A_205 : memref<1x1x1x80xi32, #tpu.memory_space<hbm>> -> memref<1x80xi32, #tpu.memory_space<hbm>>
        %dma_start3A_207 = arith.constant 0 : i32
        %dma_start3A_208 = tpu.memref_slice %arg2[%dma_start3A_203, %add3A, %add3A_202, %dma_start3A_207] : memref<2x32x125x80xi32, #tpu.memory_space<hbm>> -> memref<1x1x1x80xi32, #tpu.memory_space<hbm>>
        %dma_start3A_209 = tpu.memref_squeeze %dma_start3A_208 : memref<1x1x1x80xi32, #tpu.memory_space<hbm>> -> memref<1x80xi32, #tpu.memory_space<hbm>>
        tpu.enqueue_dma source(%dma_start3A_209 : memref<1x80xi32, #tpu.memory_space<hbm>>) target(%arg9 : memref<1x80xi32, #tpu.memory_space<vmem>>) target_semaphore(%arg18 : memref<!tpu.dma_semaphore, #tpu.memory_space<semaphore_mem>>)
        %dma_start3A_210 = arith.constant 0 : i32
        %dma_start3A_211 = tpu.memref_slice %arg7[%add3A_202, %dma_start3A_210] : memref<125x80xi32, #tpu.memory_space<vmem>> -> memref<1x80xi32, #tpu.memory_space<vmem>>
        %dma_start3A_212 = tpu.memref_squeeze %dma_start3A_211 : memref<1x80xi32, #tpu.memory_space<vmem>> -> memref<80xi32, #tpu.memory_space<vmem>>
        %dma_start3A_213 = arith.constant 0 : i32
        %dma_start3A_214 = arith.constant 0 : i32
        %dma_start3A_215 = tpu.memref_slice %arg3[%dma_start3A_213, %dma_start3A_214] : memref<10000x128xf32, #tpu.memory_space<hbm>> -> memref<10000x128xf32, #tpu.memory_space<hbm>>
        tpu.enqueue_indirect_dma source(%dma_start3A_215 : memref<10000x128xf32, #tpu.memory_space<hbm>>) target(%arg12 : memref<80x128xf32, #tpu.memory_space<vmem>>) offsets(%dma_start3A_212 : memref<80xi32, #tpu.memory_space<vmem>>) semaphore(%arg15 : memref<!tpu.dma_semaphore, #tpu.memory_space<semaphore_mem>>)
      } else {
      }
    }
    %scan3A_38 = arith.constant 41 : i32
    %dma_wait3A = arith.constant 1 : i32
    %dma_wait3A_39 = arith.constant 123 : i32
    %dma_wait3A_40 = arith.constant 0 : i32
    %dma_wait3A_41 = tpu.memref_slice %arg2[%dma_wait3A, %add3A, %dma_wait3A_39, %dma_wait3A_40] : memref<2x32x125x80xi32, #tpu.memory_space<hbm>> -> memref<1x1x1x80xi32, #tpu.memory_space<hbm>>
    %dma_wait3A_42 = tpu.memref_squeeze %dma_wait3A_41 : memref<1x1x1x80xi32, #tpu.memory_space<hbm>> -> memref<1x80xi32, #tpu.memory_space<hbm>>
    %dma_wait3A_43 = arith.constant 123 : i32
    %dma_wait3A_44 = arith.constant 0 : i32
    %dma_wait3A_45 = tpu.memref_slice %arg2[%dma_wait3A, %add3A, %dma_wait3A_43, %dma_wait3A_44] : memref<2x32x125x80xi32, #tpu.memory_space<hbm>> -> memref<1x1x1x80xi32, #tpu.memory_space<hbm>>
    %dma_wait3A_46 = tpu.memref_squeeze %dma_wait3A_45 : memref<1x1x1x80xi32, #tpu.memory_space<hbm>> -> memref<1x80xi32, #tpu.memory_space<hbm>>
    tpu.wait_dma2 semaphore(%arg17 : memref<!tpu.dma_semaphore, #tpu.memory_space<semaphore_mem>>) src(%dma_wait3A_46 : memref<1x80xi32, #tpu.memory_space<hbm>>) dst(%arg8 : memref<1x80xi32, #tpu.memory_space<vmem>>)
    %dma_wait3A_47 = arith.constant 123 : i32
    %dma_wait3A_48 = arith.constant 0 : i32
    %dma_wait3A_49 = tpu.memref_slice %arg7[%dma_wait3A_47, %dma_wait3A_48] : memref<125x80xi32, #tpu.memory_space<vmem>> -> memref<1x80xi32, #tpu.memory_space<vmem>>
    %dma_wait3A_50 = tpu.memref_squeeze %dma_wait3A_49 : memref<1x80xi32, #tpu.memory_space<vmem>> -> memref<80xi32, #tpu.memory_space<vmem>>
    %dma_wait3A_51 = arith.constant 0 : i32
    %dma_wait3A_52 = arith.constant 0 : i32
    %dma_wait3A_53 = tpu.memref_slice %arg3[%dma_wait3A_51, %dma_wait3A_52] : memref<10000x128xf32, #tpu.memory_space<hbm>> -> memref<10000x128xf32, #tpu.memory_space<hbm>>
    tpu.wait_indirect_dma semaphore(%arg14 : memref<!tpu.dma_semaphore, #tpu.memory_space<semaphore_mem>>) src(%dma_wait3A_53 : memref<10000x128xf32, #tpu.memory_space<hbm>>) dst(%arg11 : memref<80x128xf32, #tpu.memory_space<vmem>>)
    %dma_start3A_54 = arith.constant 0 : i32
    %dma_start3A_55 = arith.constant 0 : i32
    %dma_start3A_56 = tpu.memref_slice %arg8[%dma_start3A_54, %dma_start3A_55] : memref<1x80xi32, #tpu.memory_space<vmem>> -> memref<1x80xi32, #tpu.memory_space<vmem>>
    %dma_start3A_57 = tpu.memref_squeeze %dma_start3A_56 : memref<1x80xi32, #tpu.memory_space<vmem>> -> memref<80xi32, #tpu.memory_space<vmem>>
    %dma_start3A_58 = arith.constant 0 : i32
    %dma_start3A_59 = arith.constant 0 : i32
    %dma_start3A_60 = tpu.memref_slice %arg6[%dma_start3A_58, %dma_start3A_59] : memref<10240x128xf32, #tpu.memory_space<vmem_shared>> -> memref<10240x128xf32, #tpu.memory_space<vmem_shared>>
    tpu.enqueue_indirect_dma source(%arg11 : memref<80x128xf32, #tpu.memory_space<vmem>>) target(%dma_start3A_60 : memref<10240x128xf32, #tpu.memory_space<vmem_shared>>) offsets(%dma_start3A_57 : memref<80xi32, #tpu.memory_space<vmem>>) semaphore(%arg20 : memref<!tpu.dma_semaphore, #tpu.memory_space<semaphore_mem>>) {add = true}
    %dma_wait3A_61 = arith.constant 1 : i32
    %dma_wait3A_62 = arith.constant 124 : i32
    %dma_wait3A_63 = arith.constant 0 : i32
    %dma_wait3A_64 = tpu.memref_slice %arg2[%dma_wait3A_61, %add3A, %dma_wait3A_62, %dma_wait3A_63] : memref<2x32x125x80xi32, #tpu.memory_space<hbm>> -> memref<1x1x1x80xi32, #tpu.memory_space<hbm>>
    %dma_wait3A_65 = tpu.memref_squeeze %dma_wait3A_64 : memref<1x1x1x80xi32, #tpu.memory_space<hbm>> -> memref<1x80xi32, #tpu.memory_space<hbm>>
    %dma_wait3A_66 = arith.constant 124 : i32
    %dma_wait3A_67 = arith.constant 0 : i32
    %dma_wait3A_68 = tpu.memref_slice %arg2[%dma_wait3A_61, %add3A, %dma_wait3A_66, %dma_wait3A_67] : memref<2x32x125x80xi32, #tpu.memory_space<hbm>> -> memref<1x1x1x80xi32, #tpu.memory_space<hbm>>
    %dma_wait3A_69 = tpu.memref_squeeze %dma_wait3A_68 : memref<1x1x1x80xi32, #tpu.memory_space<hbm>> -> memref<1x80xi32, #tpu.memory_space<hbm>>
    tpu.wait_dma2 semaphore(%arg18 : memref<!tpu.dma_semaphore, #tpu.memory_space<semaphore_mem>>) src(%dma_wait3A_69 : memref<1x80xi32, #tpu.memory_space<hbm>>) dst(%arg9 : memref<1x80xi32, #tpu.memory_space<vmem>>)
    %dma_wait3A_70 = arith.constant 124 : i32
    %dma_wait3A_71 = arith.constant 0 : i32
    %dma_wait3A_72 = tpu.memref_slice %arg7[%dma_wait3A_70, %dma_wait3A_71] : memref<125x80xi32, #tpu.memory_space<vmem>> -> memref<1x80xi32, #tpu.memory_space<vmem>>
    %dma_wait3A_73 = tpu.memref_squeeze %dma_wait3A_72 : memref<1x80xi32, #tpu.memory_space<vmem>> -> memref<80xi32, #tpu.memory_space<vmem>>
    %dma_wait3A_74 = arith.constant 0 : i32
    %dma_wait3A_75 = arith.constant 0 : i32
    %dma_wait3A_76 = tpu.memref_slice %arg3[%dma_wait3A_74, %dma_wait3A_75] : memref<10000x128xf32, #tpu.memory_space<hbm>> -> memref<10000x128xf32, #tpu.memory_space<hbm>>
    tpu.wait_indirect_dma semaphore(%arg15 : memref<!tpu.dma_semaphore, #tpu.memory_space<semaphore_mem>>) src(%dma_wait3A_76 : memref<10000x128xf32, #tpu.memory_space<hbm>>) dst(%arg12 : memref<80x128xf32, #tpu.memory_space<vmem>>)
    %dma_start3A_77 = arith.constant 0 : i32
    %dma_start3A_78 = arith.constant 0 : i32
    %dma_start3A_79 = tpu.memref_slice %arg9[%dma_start3A_77, %dma_start3A_78] : memref<1x80xi32, #tpu.memory_space<vmem>> -> memref<1x80xi32, #tpu.memory_space<vmem>>
    %dma_start3A_80 = tpu.memref_squeeze %dma_start3A_79 : memref<1x80xi32, #tpu.memory_space<vmem>> -> memref<80xi32, #tpu.memory_space<vmem>>
    %dma_start3A_81 = arith.constant 0 : i32
    %dma_start3A_82 = arith.constant 0 : i32
    %dma_start3A_83 = tpu.memref_slice %arg6[%dma_start3A_81, %dma_start3A_82] : memref<10240x128xf32, #tpu.memory_space<vmem_shared>> -> memref<10240x128xf32, #tpu.memory_space<vmem_shared>>
    tpu.enqueue_indirect_dma source(%arg12 : memref<80x128xf32, #tpu.memory_space<vmem>>) target(%dma_start3A_83 : memref<10240x128xf32, #tpu.memory_space<vmem_shared>>) offsets(%dma_start3A_80 : memref<80xi32, #tpu.memory_space<vmem>>) semaphore(%arg21 : memref<!tpu.dma_semaphore, #tpu.memory_space<semaphore_mem>>) {add = true}
    %dma_wait3A_84 = arith.constant 0 : i32
    %dma_wait3A_85 = arith.constant 0 : i32
    %dma_wait3A_86 = tpu.memref_slice %arg10[%dma_wait3A_84, %dma_wait3A_85] : memref<1x80xi32, #tpu.memory_space<vmem>> -> memref<1x80xi32, #tpu.memory_space<vmem>>
    %dma_wait3A_87 = tpu.memref_squeeze %dma_wait3A_86 : memref<1x80xi32, #tpu.memory_space<vmem>> -> memref<80xi32, #tpu.memory_space<vmem>>
    %dma_wait3A_88 = arith.constant 0 : i32
    %dma_wait3A_89 = arith.constant 0 : i32
    %dma_wait3A_90 = tpu.memref_slice %arg6[%dma_wait3A_88, %dma_wait3A_89] : memref<10240x128xf32, #tpu.memory_space<vmem_shared>> -> memref<10240x128xf32, #tpu.memory_space<vmem_shared>>
    tpu.wait_indirect_dma semaphore(%arg22 : memref<!tpu.dma_semaphore, #tpu.memory_space<semaphore_mem>>) src(%arg13 : memref<80x128xf32, #tpu.memory_space<vmem>>) dst(%dma_wait3A_90 : memref<10240x128xf32, #tpu.memory_space<vmem_shared>>)
    %dma_wait3A_91 = arith.constant 0 : i32
    %dma_wait3A_92 = arith.constant 0 : i32
    %dma_wait3A_93 = tpu.memref_slice %arg8[%dma_wait3A_91, %dma_wait3A_92] : memref<1x80xi32, #tpu.memory_space<vmem>> -> memref<1x80xi32, #tpu.memory_space<vmem>>
    %dma_wait3A_94 = tpu.memref_squeeze %dma_wait3A_93 : memref<1x80xi32, #tpu.memory_space<vmem>> -> memref<80xi32, #tpu.memory_space<vmem>>
    %dma_wait3A_95 = arith.constant 0 : i32
    %dma_wait3A_96 = arith.constant 0 : i32
    %dma_wait3A_97 = tpu.memref_slice %arg6[%dma_wait3A_95, %dma_wait3A_96] : memref<10240x128xf32, #tpu.memory_space<vmem_shared>> -> memref<10240x128xf32, #tpu.memory_space<vmem_shared>>
    tpu.wait_indirect_dma semaphore(%arg20 : memref<!tpu.dma_semaphore, #tpu.memory_space<semaphore_mem>>) src(%arg11 : memref<80x128xf32, #tpu.memory_space<vmem>>) dst(%dma_wait3A_97 : memref<10240x128xf32, #tpu.memory_space<vmem_shared>>)
    %dma_wait3A_98 = arith.constant 0 : i32
    %dma_wait3A_99 = arith.constant 0 : i32
    %dma_wait3A_100 = tpu.memref_slice %arg9[%dma_wait3A_98, %dma_wait3A_99] : memref<1x80xi32, #tpu.memory_space<vmem>> -> memref<1x80xi32, #tpu.memory_space<vmem>>
    %dma_wait3A_101 = tpu.memref_squeeze %dma_wait3A_100 : memref<1x80xi32, #tpu.memory_space<vmem>> -> memref<80xi32, #tpu.memory_space<vmem>>
    %dma_wait3A_102 = arith.constant 0 : i32
    %dma_wait3A_103 = arith.constant 0 : i32
    %dma_wait3A_104 = tpu.memref_slice %arg6[%dma_wait3A_102, %dma_wait3A_103] : memref<10240x128xf32, #tpu.memory_space<vmem_shared>> -> memref<10240x128xf32, #tpu.memory_space<vmem_shared>>
    tpu.wait_indirect_dma semaphore(%arg21 : memref<!tpu.dma_semaphore, #tpu.memory_space<semaphore_mem>>) src(%arg12 : memref<80x128xf32, #tpu.memory_space<vmem>>) dst(%dma_wait3A_104 : memref<10240x128xf32, #tpu.memory_space<vmem_shared>>)
    %barrier3A_105 = arith.constant 0 : index
    tpu.barrier barrier_id(%barrier3A_105)
    "tpu.region"() ({
      %run_scoped3A_106 = tpu.sem_alloc : memref<!tpu.dma_semaphore, #tpu.memory_space<semaphore_mem>>
      %dma_start3A_107 = arith.constant 0 : i32
      %dma_start3A_108 = tpu.memref_slice %arg5[%arg0, %mul3A_2, %dma_start3A_107] : memref<2x10240x128xf32, #tpu.memory_space<hbm>> -> memref<1x640x128xf32, #tpu.memory_space<hbm>>
      %dma_start3A_109 = tpu.memref_squeeze %dma_start3A_108 : memref<1x640x128xf32, #tpu.memory_space<hbm>> -> memref<640x128xf32, #tpu.memory_space<hbm>>
      %dma_start3A_110 = arith.constant 0 : i32
      %dma_start3A_111 = tpu.memref_slice %arg6[%mul3A_2, %dma_start3A_110] : memref<10240x128xf32, #tpu.memory_space<vmem_shared>> -> memref<640x128xf32, #tpu.memory_space<vmem_shared>>
      tpu.enqueue_dma source(%dma_start3A_111 : memref<640x128xf32, #tpu.memory_space<vmem_shared>>) target(%dma_start3A_109 : memref<640x128xf32, #tpu.memory_space<hbm>>) target_semaphore(%run_scoped3A_106 : memref<!tpu.dma_semaphore, #tpu.memory_space<semaphore_mem>>)
      %dma_wait3A_112 = arith.constant 0 : i32
      %dma_wait3A_113 = tpu.memref_slice %arg5[%arg0, %mul3A_2, %dma_wait3A_112] : memref<2x10240x128xf32, #tpu.memory_space<hbm>> -> memref<1x640x128xf32, #tpu.memory_space<hbm>>
      %dma_wait3A_114 = tpu.memref_squeeze %dma_wait3A_113 : memref<1x640x128xf32, #tpu.memory_space<hbm>> -> memref<640x128xf32, #tpu.memory_space<hbm>>
      %dma_wait3A_115 = arith.constant 0 : i32
      %dma_wait3A_116 = tpu.memref_slice %arg6[%mul3A_2, %dma_wait3A_115] : memref<10240x128xf32, #tpu.memory_space<vmem_shared>> -> memref<640x128xf32, #tpu.memory_space<vmem_shared>>
      tpu.wait_dma2 semaphore(%run_scoped3A_106 : memref<!tpu.dma_semaphore, #tpu.memory_space<semaphore_mem>>) src(%dma_wait3A_116 : memref<640x128xf32, #tpu.memory_space<vmem_shared>>) dst(%dma_wait3A_114 : memref<640x128xf32, #tpu.memory_space<hbm>>)
      tpu.yield
    }) : () -> ()
    return
  }
}

module attributes {stable_mosaic.version = 14 : i64} {
  func.func @body(%arg0: i32, %arg1: memref<1000x128xf32, #tpu.memory_space<vmem>>, %arg2: memref<128x128xf32, #tpu.memory_space<vmem>>, %arg3: memref<1000x4xf32, #tpu.memory_space<vmem>>, %arg4: memref<1000x128xf32, #tpu.memory_space<vmem>>) attributes {dimension_semantics = [#tpu.dimension_semantics<arbitrary>], iteration_bounds = array<i64: 10>, scalar_prefetch = 0 : i64, scratch_operands = 0 : i64, tpu.core_type = #tpu.core_type<tc>, window_params = [{transform_indices = @transform_0, window_bounds = array<i64: 1000, 128>}, {pipeline_mode = #tpu.pipeline_mode<synchronous>, transform_indices = @transform_1, window_bounds = array<i64: 128, 128>}, {transform_indices = @transform_2, window_bounds = array<i64: 1000, 4>}, {transform_indices = @transform_3, window_bounds = array<i64: 1000, 128>}]} {
    %get3A = arith.constant 0 : index
    %get3A_0 = arith.constant 0 : index
    %get3A_1 = vector.load %arg3[%get3A, %get3A_0] : memref<1000x4xf32, #tpu.memory_space<vmem>>, vector<1000x1xf32>
    %get3A_2 = vector.shape_cast %get3A_1 : vector<1000x1xf32> to vector<1000xf32>
    %get3A_3 = arith.constant 0 : index
    %get3A_4 = arith.constant 1 : index
    %get3A_5 = vector.load %arg3[%get3A_3, %get3A_4] : memref<1000x4xf32, #tpu.memory_space<vmem>>, vector<1000x1xf32>
    %get3A_6 = vector.shape_cast %get3A_5 : vector<1000x1xf32> to vector<1000xf32>
    %add3A = arith.addf %get3A_2, %get3A_6 : vector<1000xf32>
    %gt3A = arith.constant 0.000000e+00 : f32
    %gt3A_7 = vector.broadcast %gt3A : f32 to vector<1000xf32>
    %gt3A_8 = arith.cmpf ogt, %add3A, %gt3A_7 : vector<1000xf32>
    %max3A = arith.constant 9.99999996E-13 : f32
    %max3A_9 = vector.broadcast %max3A : f32 to vector<1000xf32>
    %max3A_10 = arith.maximumf %add3A, %max3A_9 : vector<1000xf32>
    %rsqrt3A = math.rsqrt %max3A_10 : vector<1000xf32>
    %jit3A = arith.constant 0.000000e+00 : f32
    %broadcast_in_dim3A = vector.broadcast %jit3A : f32 to vector<1000xf32>
    %select_n3A = arith.select %gt3A_8, %rsqrt3A, %broadcast_in_dim3A : vector<1000xi1>, vector<1000xf32>
    %get3A_11 = arith.constant 0 : index
    %get3A_12 = arith.constant 0 : index
    %get3A_13 = vector.load %arg1[%get3A_11, %get3A_12] : memref<1000x128xf32, #tpu.memory_space<vmem>>, vector<1000x128xf32>
    %broadcast_in_dim3A_14 = vector.shape_cast %select_n3A : vector<1000xf32> to vector<1000x1xf32>
    %mul3A = vector.broadcast %broadcast_in_dim3A_14 : vector<1000x1xf32> to vector<1000x128xf32>
    %mul3A_15 = arith.mulf %get3A_13, %mul3A : vector<1000x128xf32>
    %get3A_16 = arith.constant 0 : index
    %get3A_17 = arith.constant 0 : index
    %get3A_18 = vector.load %arg2[%get3A_16, %get3A_17] : memref<128x128xf32, #tpu.memory_space<vmem>>, vector<128x128xf32>
    %dot_general3A = arith.constant dense<0.000000e+00> : vector<1000x128xf32>
    %dot_general3A_19 = tpu.matmul %mul3A_15, %get3A_18, %dot_general3A {dimension_numbers = #tpu.dot_dimension_numbers<[1], [0], [0], [1], [0, 0, 1, 1], [], []>, transpose_lhs_hint = false} : vector<1000x128xf32>, vector<128x128xf32>, vector<1000x128xf32> -> vector<1000x128xf32>
    %swap3A = arith.constant 0 : index
    %swap3A_20 = arith.constant 0 : index
    %swap3A_21 = vector.load %arg4[%swap3A, %swap3A_20] : memref<1000x128xf32, #tpu.memory_space<vmem>>, vector<1000x128xf32>
    tpu.vector_store %arg4[%swap3A, %swap3A_20], %dot_general3A_19 {strides = array<i32>} : memref<1000x128xf32, #tpu.memory_space<vmem>>, vector<1000x128xf32>,
    return
  }
  func.func @transform_0(%arg0: i32) -> (i32, i32) {
    %c0_i32 = arith.constant 0 : i32
    %c0_i32_0 = arith.constant 0 : i32
    return %arg0, %c0_i32 : i32, i32
  }
  func.func @transform_1(%arg0: i32) -> (i32, i32) {
    %c0_i32 = arith.constant 0 : i32
    %c0_i32_0 = arith.constant 0 : i32
    %c0_i32_1 = arith.constant 0 : i32
    return %c0_i32, %c0_i32_0 : i32, i32
  }
  func.func @transform_2(%arg0: i32) -> (i32, i32) {
    %c0_i32 = arith.constant 0 : i32
    %c0_i32_0 = arith.constant 0 : i32
    return %arg0, %c0_i32 : i32, i32
  }
  func.func @transform_3(%arg0: i32) -> (i32, i32) {
    %c0_i32 = arith.constant 0 : i32
    %c0_i32_0 = arith.constant 0 : i32
    return %arg0, %c0_i32 : i32, i32
  }
}

module attributes {stable_mosaic.version = 14 : i64} {
  func.func @body(%arg0: i32, %arg1: memref<2x1000x128xf32, #tpu.memory_space<vmem>>, %arg2: memref<1000x4xf32, #tpu.memory_space<vmem>>, %arg3: memref<1x128xf32, #tpu.memory_space<vmem>>, %arg4: memref<1000x128xf32, #tpu.memory_space<vmem>>) attributes {dimension_semantics = [#tpu.dimension_semantics<arbitrary>], iteration_bounds = array<i64: 10>, scalar_prefetch = 0 : i64, scratch_operands = 0 : i64, tpu.core_type = #tpu.core_type<tc>, window_params = [{transform_indices = @transform_0, window_bounds = array<i64: 2, 1000, 128>}, {transform_indices = @transform_1, window_bounds = array<i64: 1000, 4>}, {pipeline_mode = #tpu.pipeline_mode<synchronous>, transform_indices = @transform_2, window_bounds = array<i64: 1, 128>}, {transform_indices = @transform_3, window_bounds = array<i64: 1000, 128>}]} {
    %get3A = arith.constant 0 : index
    %get3A_0 = arith.constant 0 : index
    %get3A_1 = arith.constant 0 : index
    %get3A_2 = vector.load %arg1[%get3A, %get3A_0, %get3A_1] : memref<2x1000x128xf32, #tpu.memory_space<vmem>>, vector<1x1000x128xf32>
    %get3A_3 = vector.shape_cast %get3A_2 : vector<1x1000x128xf32> to vector<1000x128xf32>
    %get3A_4 = arith.constant 1 : index
    %get3A_5 = arith.constant 0 : index
    %get3A_6 = arith.constant 0 : index
    %get3A_7 = vector.load %arg1[%get3A_4, %get3A_5, %get3A_6] : memref<2x1000x128xf32, #tpu.memory_space<vmem>>, vector<1x1000x128xf32>
    %get3A_8 = vector.shape_cast %get3A_7 : vector<1x1000x128xf32> to vector<1000x128xf32>
    %add3A = arith.addf %get3A_3, %get3A_8 : vector<1000x128xf32>
    %get3A_9 = arith.constant 0 : index
    %get3A_10 = arith.constant 2 : index
    %get3A_11 = vector.load %arg2[%get3A_9, %get3A_10] : memref<1000x4xf32, #tpu.memory_space<vmem>>, vector<1000x1xf32>
    %get3A_12 = vector.shape_cast %get3A_11 : vector<1000x1xf32> to vector<1000xf32>
    %get3A_13 = arith.constant 0 : index
    %get3A_14 = arith.constant 3 : index
    %get3A_15 = vector.load %arg2[%get3A_13, %get3A_14] : memref<1000x4xf32, #tpu.memory_space<vmem>>, vector<1000x1xf32>
    %get3A_16 = vector.shape_cast %get3A_15 : vector<1000x1xf32> to vector<1000xf32>
    %add3A_17 = arith.addf %get3A_12, %get3A_16 : vector<1000xf32>
    %gt3A = arith.constant 0.000000e+00 : f32
    %gt3A_18 = vector.broadcast %gt3A : f32 to vector<1000xf32>
    %gt3A_19 = arith.cmpf ogt, %add3A_17, %gt3A_18 : vector<1000xf32>
    %max3A = arith.constant 9.99999996E-13 : f32
    %max3A_20 = vector.broadcast %max3A : f32 to vector<1000xf32>
    %max3A_21 = arith.maximumf %add3A_17, %max3A_20 : vector<1000xf32>
    %rsqrt3A = math.rsqrt %max3A_21 : vector<1000xf32>
    %jit3A = arith.constant 0.000000e+00 : f32
    %broadcast_in_dim3A = vector.broadcast %jit3A : f32 to vector<1000xf32>
    %select_n3A = arith.select %gt3A_19, %rsqrt3A, %broadcast_in_dim3A : vector<1000xi1>, vector<1000xf32>
    %broadcast_in_dim3A_22 = vector.shape_cast %select_n3A : vector<1000xf32> to vector<1000x1xf32>
    %mul3A = vector.broadcast %broadcast_in_dim3A_22 : vector<1000x1xf32> to vector<1000x128xf32>
    %mul3A_23 = arith.mulf %add3A, %mul3A : vector<1000x128xf32>
    %get3A_24 = arith.constant 0 : index
    %get3A_25 = arith.constant 0 : index
    %get3A_26 = vector.load %arg3[%get3A_24, %get3A_25] : memref<1x128xf32, #tpu.memory_space<vmem>>, vector<1x128xf32>
    %get3A_27 = vector.shape_cast %get3A_26 : vector<1x128xf32> to vector<128xf32>
    %broadcast_in_dim3A_28 = vector.shape_cast %get3A_27 : vector<128xf32> to vector<1x128xf32>
    %add3A_29 = vector.broadcast %broadcast_in_dim3A_28 : vector<1x128xf32> to vector<1000x128xf32>
    %add3A_30 = arith.addf %mul3A_23, %add3A_29 : vector<1000x128xf32>
    %swap3A = arith.constant 0 : index
    %swap3A_31 = arith.constant 0 : index
    %swap3A_32 = vector.load %arg4[%swap3A, %swap3A_31] : memref<1000x128xf32, #tpu.memory_space<vmem>>, vector<1000x128xf32>
    tpu.vector_store %arg4[%swap3A, %swap3A_31], %add3A_30 {strides = array<i32>} : memref<1000x128xf32, #tpu.memory_space<vmem>>, vector<1000x128xf32>,
    return
  }
  func.func @transform_0(%arg0: i32) -> (i32, i32, i32) {
    %c0_i32 = arith.constant 0 : i32
    %c0_i32_0 = arith.constant 0 : i32
    %c0_i32_1 = arith.constant 0 : i32
    return %c0_i32, %arg0, %c0_i32_0 : i32, i32, i32
  }
  func.func @transform_1(%arg0: i32) -> (i32, i32) {
    %c0_i32 = arith.constant 0 : i32
    %c0_i32_0 = arith.constant 0 : i32
    return %arg0, %c0_i32 : i32, i32
  }
  func.func @transform_2(%arg0: i32) -> (i32, i32) {
    %c0_i32 = arith.constant 0 : i32
    %c0_i32_0 = arith.constant 0 : i32
    %c0_i32_1 = arith.constant 0 : i32
    return %c0_i32, %c0_i32_0 : i32, i32
  }
  func.func @transform_3(%arg0: i32) -> (i32, i32) {
    %c0_i32 = arith.constant 0 : i32
    %c0_i32_0 = arith.constant 0 : i32
    return %arg0, %c0_i32 : i32, i32
  }
}

</mosaic_0001>

<sc_bundles>
// kernel: kernel.6.cloned.1.call-start
scs
__scs_entry_jumppad:
0x0: {  	(pc) =	sbr.rel $0x88, $3  }
0x1: {  	(tag) =	ssettag $0x0;
	lr =	simm.s32 $0x1  }
0x2: {  	[smem:$0x3F9D] =	sst lr;
	_ =	strace $0xD0000000  }
0x3: {  	_ = 	snop  }
0x4: {  	_ = 	snop  }
0x5: {  	_ = 	snop  }
0x6: {  	_ = 	snop  }
0x7: {  	_ = 	snop  }
__scs_overlays_trampoline_lowered:
0x8: {  	[smem:$0x3FAC] =	sst s0  }
0x9: {  	[smem:$0x3FAD] =	sst s1  }
0xa: {  	[smem:$0x3FAE] =	sst s2  }
0xb: {  	[smem:$0x3FAF] =	sst s3  }
0xc: {  	[smem:$0x3FB0] =	sst s4  }
0xd: {  	[smem:$0x3FB1] =	sst s5  }
0xe: {  	[smem:$0x3FB2] =	sst s6  }
0xf: {  	[smem:$0x3FB3] =	sst s7  }
0x10: {  	[smem:$0x3FB4] =	sst s8  }
0x11: {  	[smem:$0x3FB5] =	sst s9;
	s0 =	simm.s32 @!p0 $0x0  }
0x12: {  	s1 =	sld [smem:$0x3F9B];
	s0 =	simm.s32 @p0 $0x1  }
0x13: {  	[smem:$0x3FB6] =	sst s0;
	s0 =	simm.s32 @!p1 $0x0  }
0x14: {  	s2 =	sld [smem:$0x3F9A];
	s0 =	simm.s32 @p1 $0x1  }
0x15: {  	[smem:$0x3FB7] =	sst s0;
	s0 =	simm.s32 @!p2 $0x0  }
0x16: {  	s3 =	sld [smem:$0x3FDB];
	s0 =	simm.s32 @p2 $0x1  }
0x17: {  	s4 =	simm.s32 $0x1BF5;
	[smem:$0x3FB9] =	sst s0  }
0x18: {  	s0 =	sld [smem:$0x3F9C];
	_ =	swait.ge [sflag:s4], $0x0  }
0x19: {  	s7 =	sld [smem:$0x3F9D]  }
0x1a: {  	s8 =	sadd.s32 $0xFFFFE003, lr  }
0x1b: {  	s9 =	sadd.s32 $0xFFFFFEF7, lr;
	s5 =	simm.s32 $0xFFFFFFFF;
	p2 =	slt.u32 s8, $0xFFFFF086  }
0x1c: {  	p1 =	slt.u32 s9, $0xF7A;
	s5 =	simm.s32 @!p2 $0x0  }
0x1d: {  	s5 =	simm.s32 @p1 $0x1;
	p0 =	seq.s32 s7, s2  }
0x1e: {  	s7 =	smul.u32 @!p0 $0xF7A, s2;
	p2 =	seq.s32 @!p0 s5, $0x0  }
0x1f: {  	s9 =	smul.u32 $0xF7A, s1;
	s8 =	simm.s32 @!p0 $0x1BF5;
	p2 =	por !p2, p0  }
0x20: {  	[sflag:s8] =	ssyncset.s32 @!p0 $0xFFFFF086;
	s6 =	sadd.s32 @!p0 s3, s7;
	s7 =	simm.s32 @!p0 $0x108  }
0x21: {  	s3 =	sadd.s32 s3, s9;
	s6 =	sadd.s32 @!p0 $0x88, s6;
	s7 =	simm.s32 @p2 $0x1082  }
0x22: {  	[simem:s7], [sflag:s8] =	dma.local @!p0 [hbm:s6], $0xF7A  }
0x23: {  	s9 =	sor.u32 $0xD0000000, s2;
	s6 =	simm.s32 $0x108;
	_ =	swait.ge @!p0 [sflag:s8], $0x0  }
0x24: {  	s3 =	sadd.s32 $0x88, s3;
	s6 =	simm.s32 @!p1 $0x1082;
	[sflag:s4] =	ssyncset.s32 $0xFFFFF086  }
0x25: {  	[simem:s6], [sflag:s4] =	dma.local [hbm:s3], $0xF7A  }
0x26: {  	[smem:$0x3F9D] =	sst s1;
	(tag) =	ssettag s2;
	_ =	strace s9  }
0x27: {  	s1 =	sld [smem:$0x3FAD]  }
0x28: {  	s2 =	sld [smem:$0x3FAE]  }
0x29: {  	s4 =	sld [smem:$0x3FB0]  }
0x2a: {  	p0 =	seq.s32 s5, $0x0;
	s5 =	sld [smem:$0x3FB1]  }
0x2b: {  	s6 =	sld [smem:$0x3FB2]  }
0x2c: {  	s7 =	sld [smem:$0x3FB3]  }
0x2d: {  	s3 =	simm.s32 $0x108;
	s8 =	sld [smem:$0x3FB4]  }
0x2e: {  	s3 =	simm.s32 @!p0 $0x1082;
	s9 =	sld [smem:$0x3FB5]  }
0x2f: {  	lr =	sadd.s32 s0, s3;
	s0 =	sld [smem:$0x3FAC]  }
0x30: {  	s3 =	sld [smem:$0x3FAF]  }
0x31: {  	[smem:$0x3FB8] =	sst s10  }
0x32: {  	s10 =	sld [smem:$0x3FB6];
	_ =	sdelay $0x3  }
0x33: {  	p0 =	seq.s32 s10, $0x1;
	s10 =	sld [smem:$0x3FB8];
	_ =	sdelay $0x3  }
0x34: {  	[smem:$0x3FB8] =	sst s10  }
0x35: {  	s10 =	sld [smem:$0x3FB7];
	_ =	sdelay $0x3  }
0x36: {  	p1 =	seq.s32 s10, $0x1;
	s10 =	sld [smem:$0x3FB8];
	_ =	sdelay $0x3  }
0x37: {  	[smem:$0x3FB8] =	sst s10  }
0x38: {  	s10 =	sld [smem:$0x3FB9]  }
0x39: {  	_ = 	snop;
	(pc) =	sbr.ind lr, $3  }
0x3a: {  	_ = 	snop  }
0x3b: {  	_ = 	snop  }
0x3c: {  	p2 =	seq.s32 s10, $0x1;
	s10 =	sld [smem:$0x3FB8]  }
0x3d: {  	_ =	shalt  }
0x3e: {  	_ =	shalt  }
0x3f: {  	_ =	shalt  }
0x40: {  	_ =	shalt  }
0x41: {  	_ =	shalt  }
0x42: {  	_ =	shalt  }
0x43: {  	_ =	shalt  }
0x44: {  	_ =	shalt  }
0x45: {  	_ =	shalt  }
0x46: {  	_ =	shalt  }
0x47: {  	_ =	shalt  }
0x48: {  	_ =	shalt  }
0x49: {  	_ =	shalt  }
0x4a: {  	_ =	shalt  }
0x4b: {  	_ =	shalt  }
0x4c: {  	_ =	shalt  }
0x4d: {  	_ =	shalt  }
0x4e: {  	_ =	shalt  }
0x4f: {  	_ =	shalt  }
0x50: {  	_ =	shalt  }
0x51: {  	_ =	shalt  }
0x52: {  	_ =	shalt  }
0x53: {  	_ =	shalt  }
0x54: {  	_ =	shalt  }
0x55: {  	_ =	shalt  }
0x56: {  	_ =	shalt  }
0x57: {  	_ =	shalt  }
0x58: {  	_ =	shalt  }
0x59: {  	_ =	shalt  }
0x5a: {  	_ =	shalt  }
0x5b: {  	_ =	shalt  }
0x5c: {  	_ =	shalt  }
0x5d: {  	_ =	shalt  }
0x5e: {  	_ =	shalt  }
0x5f: {  	_ =	shalt  }
0x60: {  	_ =	shalt  }
0x61: {  	_ =	shalt  }
0x62: {  	_ =	shalt  }
0x63: {  	_ =	shalt  }
0x64: {  	_ =	shalt  }
0x65: {  	_ =	shalt  }
0x66: {  	_ =	shalt  }
0x67: {  	_ =	shalt  }
0x68: {  	_ =	shalt  }
0x69: {  	_ =	shalt  }
0x6a: {  	_ =	shalt  }
0x6b: {  	_ =	shalt  }
0x6c: {  	_ =	shalt  }
0x6d: {  	_ =	shalt  }
0x6e: {  	_ =	shalt  }
0x6f: {  	_ =	shalt  }
0x70: {  	_ =	shalt  }
0x71: {  	_ =	shalt  }
0x72: {  	_ =	shalt  }
0x73: {  	_ =	shalt  }
0x74: {  	_ =	shalt  }
0x75: {  	_ =	shalt  }
0x76: {  	_ =	shalt  }
0x77: {  	_ =	shalt  }
0x78: {  	_ =	shalt  }
0x79: {  	_ =	shalt  }
0x7a: {  	_ =	shalt  }
0x7b: {  	_ =	shalt  }
0x7c: {  	_ =	shalt  }
0x7d: {  	_ =	shalt  }
0x7e: {  	_ =	shalt  }
0x7f: {  	_ =	shalt  }
0x80: {  	_ =	shalt  }
0x81: {  	_ =	shalt  }
0x82: {  	_ =	shalt  }
0x83: {  	_ =	shalt  }
0x84: {  	_ =	shalt  }
0x85: {  	_ =	shalt  }
0x86: {  	_ =	shalt  }
0x87: {  	_ =	shalt  }
.Lfunc_end0:
.L_simem_size_0:
called_computation_lowered:
.L_overlay_start_0:
0x88: {  	s2 =	sld [smem:$0x3FD9]  }
0x89: {  	s3 =	sld [smem:$0x3FFE];
	_ =	sdelay $0x1  }
0x8a: {  	s1 =	srdreg.scid  }
0x8b: {  	s0 =	sand.u32 $0x1, s1  }
0x8c: {  	s17 =	sshll.u32 s0, $0xA;
	s2 =	sadd.s32 s3, s2  }
0x8d: {  	s2 =	sadd.s32 s2, s17  }
0x8e: {  	[smem:$0x3FC4] =	sst s2  }
0x8f: {  	_ = 	snop  }
0x90: {  	s2 =	sld [smem:$0x3FD0];
	(tm) =	ssettm $0x1  }
0x91: {  	s18 =	sld [smem:$0x3FFB];
	_ =	sdelay $0x3  }
0x92: {  	_ =	strace s18  }
0x93: {  	s3 =	sld [smem:$0x3FFC];
	_ =	sdelay $0x3  }
0x94: {  	_ =	strace s3  }
0x95: {  	s3 =	sld [smem:$0x3FFD];
	_ =	sdelay $0x3  }
0x96: {  	_ =	strace s3  }
0x97: {  	_ =	strace $0x8FFFFFFF  }
0x98: {  	s19 =	sld [smem:$0x3FDB];
	_ =	sdelay $0x1  }
0x99: {  	s4 =	simm.s32 $_scs_section_size  }
0x9a: {  	s5 =	simm.s32 $_size__tile_overlayer_lowered;
	s6 =	simm.s32 $_tile_overlayer_lowered  }
0x9b: {  	s22 =	simm.s32 $0x1BFF;
	s21 =	sshll.u32 s6, $0x1;
	s3 =	sadd.s32 s4, s19  }
0x9c: {  	s7 =	simm.s32 $0x0;
	s20 =	sshll.u32 s5, $0x1;
	s5 =	sadd.s32 s21, s3  }
0x9d: {  	[timem:s7], [sflag:s22] =	dma.local [hbm:s5], s20  }
0x9e: {  	_ =	swait.ge [sflag:s22], s20  }
0x9f: {  	s4 =	ssub.s32 $0x0, s20;
	[sflag:s22] =	ssyncset.done $0x0  }
0xa0: {  	[sflag:s22] =	ssyncadd.s32 s4;
	_ =	sdelay $0x1  }
0xa1: {  	s23 =	simm.s32 $0x1B8B  }
0xa2: {  	_ =	swait.ge [sflag:s23], $0x1  }
0xa3: {  	[sflag:s23] =	ssyncset.done $0x0  }
0xa4: {  	s25 =	simm.s32 $0x1B8E;
	s24 =	sld [smem:$0x3FFE];
	[sflag:s23] =	ssyncadd.s32 $0xFFFFFFFF  }
0xa5: {  	s26 =	simm.s32 $execute0_lowered;
	[smem:$0x3FD2] =	sst s25  }
0xa6: {  	s5 =	sshll.u32 s26, $0x1;
	_ =	strace $0x80000046;
	[dreg:$0x1] =	wrdreg $0xFFFFFFFF  }
0xa7: {  	s28 =	simm.s32 $_size_execute0_lowered;
	s3 =	sadd.s32 s3, s5;
	[dreg:$0x0] =	wrdreg $0x0  }
0xa8: {  	s5 =	sshll.u32 s28, $0x1;
	[dreg:$0x2] =	wrdreg s3  }
0xa9: {  	[dreg:$0x3] =	wrdreg s5  }
0xaa: {  	[dreg:$0x4] =	wrdreg $0xC0  }
0xab: {  	_ =	task [dreg:s7], $0x5FFFF  }
0xac: {  	[dreg:$0x1] =	wrdreg $0xFFFFFFFF  }
0xad: {  	[dreg:$0x0] =	wrdreg $0x60  }
0xae: {  	[dreg:$0x2] =	wrdreg s24  }
0xaf: {  	[dreg:$0x3] =	wrdreg s2  }
0xb0: {  	[dreg:$0x4] =	wrdreg $0x0  }
0xb1: {  	[dreg:$0x5] =	wrdreg $0x2800  }
0xb2: {  	[dreg:$0x6] =	wrdreg $0x9  }
0xb3: {  	_ =	task.clear_ibuf [dreg:s7], $0x7FFFF;
	_ =	strace $0x90000046  }
0xb4: {  	s29 =	simm.s32 $0x9;
	_ =	strace $0x80000048  }
0xb5: {  	_ =	swait.ge [sflag:s29], $0x1  }
0xb6: {  	[sflag:s29] =	ssyncadd.s32 $0xFFFFFFFF  }
0xb7: {  	_ =	strace $0x90000048  }
0xb8: {  	_ =	sfence  }
0xb9: {  	s30 =	sld [smem:$0x0];
	_ =	sdelay $0x2  }
0xba: {  	s31 =	sshll.u32 s1, $0xD;
	s1 =	sshrl.u32 s1, $0x2  }
0xbb: {  	s3 =	sand.u32 $0x4000, s31;
	s1 =	sadd.s32 s1, s30  }
0xbc: {  	s0 =	sor.u32 s3, s0;
	s1 =	sshll.u32 s1, $0x11  }
0xbd: {  	s0 =	sor.u32 s1, s0  }
0xbe: {  	s0 =	sadd.s32 $0x8F2B, s0  }
0xbf: {  	[sflag:s0] =	ssyncadd.remote.s32 $0x1  }
0xc0: {  	_ =	sfence.sel $0xFFFF  }
0xc1: {  	[dreg:$0x0] =	wrdreg $0xFFFFFFFF;
	(pc) =	sbr.abs _section_cstart, $3  }
0xc2: {  	[dreg:$0x1] =	wrdreg $0xFFFFFFFF  }
0xc3: {  	_ =	task.clear_ibuf [dreg:s7], $0x2FFFF;
	_ =	strace $0x9FFFFFFF  }
0xc4: {  	(tm) =	ssettm $0x7FFFFFFF  }
0xc5: {  	_ =	shalt  }
tec
execute0_lowered:
.L_overlay_start_1:
0x0: {  	(tag) =	ssettag $0x1  }
0x1: {  	s5 =	rddreg [dreg:$0x0]  }
0x2: {  	s7 =	rddreg [dreg:$0x1]  }
0x3: {  	s1 =	rddreg [dreg:$0x2]  }
0x4: {  	s2 =	rddreg [dreg:$0x3]  }
0x5: {  	s0 =	rddreg [dreg:$0x4];
	s4 =	simm.s32 $0x0  }
0x6: {  	s6 =	srdreg.scid;
	s3 =	stileid.u32;
	s15 =	simm.s32 $0x580  }
0x7: {  	s16 =	simm.s32 $0x4580;
	s17 =	simm.s32 $0x50;
	s18 =	simm.s32 $0x500  }
0x8: {  	s19 =	simm.s32 $0x0;
	[smem:$0x7FF] =	sst s4;
	s6 =	sand.u32 $0x1, s6  }
0x9: {  	s8 =	sshll.u32 s3, $0xC;
	s10 =	smul.u32 $0x280, s3;
	s30 =	sshll.u32 s3, $0x6  }
0xa: {  	s9 =	sshll.u32 s6, $0xB;
	_ =	strace $0x80000047;
	s11 =	ssub.s32 $0x2, s6  }
0xb: {  	s6 =	smul.u32 $0x2800, s6;
	s8 =	sor.u32 s9, s8;
	s28 =	sshrl.u32 s10, $0x3  }
0xc: {  	s29 =	sshrl.u32 s11, $0x1;
	s13 =	sadd.s32 s10, s1;
	s14 =	sadd.s32 s10, s2  }
0xd: {  	s12 =	sadd.s32 s8, s5;
	s5 =	sadd.s32 s28, s5;
	s11 =	ssub.s32 s11, s29  }
0xe: {  	s6 =	sadd.s32 s10, s6;
	s14 =	sshrl.u32 s14, $0x3;
	s5 =	sadd.s32 $0x21800, s5  }
0xf: {  	s31 =	sshrl.u32 s6, $0x3;
	s6 =	sor.u32 $0x1C01, s30;
	s8 =	sadd.s32 $0x1800, s12  }
0x10: {  	s9 =	sadd.s32 $0x11800, s12;
	s11 =	smax.u32 s11, $0x1;
	s7 =	sadd.s32 s7, s31  }
0x11: {  	v0 =	vimm.f32 $1.000000000e+00;
	s12 =	sshrl.u32 s13, $0x3;
	s13 =	simm.s32 $0x1;
	s10 =	sadd.s32 $0xA00, s7  }
.LBB2_1:
0x12: {  	[spmem:s12], [sflag:s6] =	dma.local [hbm:s5], $0x50  }
0x13: {  	_ =	swait.ge [sflag:s13], $0x50  }
0x14: {  	[sflag:s13] =	ssyncset.done $0x0  }
0x15: {  	[sflag:s13] =	ssyncadd.s32 $0xFFFFFFB0  }
0x16: {  	[spmem:s14], [sflag:s6] =	dma.local [hbm:s5], $0x50  }
0x17: {  	_ =	swait.ge [sflag:s13], $0x50  }
0x18: {  	[sflag:s13] =	ssyncset.done $0x0  }
0x19: {  	[sflag:s13] =	ssyncadd.s32 $0xFFFFFFB0  }
0x1a: {  	[tilespmem:$0x500] =	vst v0  }
0x1b: {  	[tilespmem:$0x510] =	vst v0  }
0x1c: {  	[tilespmem:$0x520] =	vst v0  }
0x1d: {  	[tilespmem:$0x530] =	vst v0  }
0x1e: {  	[tilespmem:$0x540] =	vst v0  }
0x1f: {  	[bflag:$0x0] =	sbarrier.arrive $0xFFFF  }
0x20: {  	[tilespmem:s15], [sflag:$0x1] =	stream.linear.gather [hbm4b:s8+s4], $0x3E80, $0x38;
	[tilespmem:$0x8580] =	vst v63  }
0x21: {  	_ =	swait.ge [sflag:s13], $0x3E80  }
0x22: {  	[sflag:s13] =	ssyncset.done $0x0  }
0x23: {  	[sflag:s13] =	ssyncadd.s32 $0xFFFFC180  }
0x24: {  	[tilespmem:s16], [sflag:$0x1] =	stream.linear.gather [hbm4b:s9+s4], $0x3E80, $0x38;
	[tilespmem:$0x8580] =	vst v63  }
0x25: {  	_ =	swait.ge [sflag:s13], $0x3E80  }
0x26: {  	[sflag:s13] =	ssyncset.done $0x0  }
0x27: {  	s20 =	simm.s32 $0x580;
	[sflag:s13] =	ssyncadd.s32 $0xFFFFC180  }
0x28: {  	[spmem:s1] =	stream.indirect.scatter.add.f32 [tilespmem:s18], [sflag:$0x1], $0x1, s20, s17, $0xb8;
	[tilespmem:$0x8580] =	vst v63  }
0x29: {  	s20 =	simm.s32 $0x200;
	_ =	swait.ge [sflag:s13], $0x50  }
.LBB2_2:
0x2a: {  	s21 =	sshra.s32 s20, $0x2;
	[sflag:s13] =	ssyncset.done $0x0;
	p0 =	sne.s32 s20, $0xF800  }
.Ltmp0:
0x2b: {  	s21 =	sadd.s32 $0x580, s21;
	[sflag:s13] =	ssyncadd.s32 $0xFFFFFFB0;
	(pc) =	sbr.rel @p0 .LBB2_2-.Ltmp0, $3  }
0x2c: {  	[spmem:s1] =	stream.indirect.scatter.add.f32 [tilespmem:s18], [sflag:$0x1], $0x1, s21, s17, $0xb8;
	[tilespmem:$0x8580] =	vst v63  }
0x2d: {  	s20 =	sadd.s32 $0x200, s20;
	_ =	sdelay $0x1  }
0x2e: {  	_ =	swait.ge [sflag:s13], $0x50  }
0x2f: {  	[sflag:s13] =	ssyncset.done $0x0  }
0x30: {  	s20 =	simm.s32 $0x4580;
	[sflag:s13] =	ssyncadd.s32 $0xFFFFFFB0  }
0x31: {  	[spmem:s2] =	stream.indirect.scatter.add.f32 [tilespmem:s18], [sflag:$0x1], $0x1, s20, s17, $0xb8;
	[tilespmem:$0x8580] =	vst v63  }
0x32: {  	s20 =	simm.s32 $0x200;
	_ =	swait.ge [sflag:s13], $0x50  }
.LBB2_4:
0x33: {  	s21 =	sshra.s32 s20, $0x2;
	[sflag:s13] =	ssyncset.done $0x0;
	p0 =	sne.s32 s20, $0xF800  }
.Ltmp1:
0x34: {  	s21 =	sadd.s32 $0x4580, s21;
	[sflag:s13] =	ssyncadd.s32 $0xFFFFFFB0;
	(pc) =	sbr.rel @p0 .LBB2_4-.Ltmp1, $3  }
0x35: {  	[spmem:s2] =	stream.indirect.scatter.add.f32 [tilespmem:s18], [sflag:$0x1], $0x1, s21, s17, $0xb8;
	[tilespmem:$0x8580] =	vst v63  }
0x36: {  	s20 =	sadd.s32 $0x200, s20;
	_ =	sdelay $0x1  }
0x37: {  	_ =	swait.ge [sflag:s13], $0x50  }
0x38: {  	[sflag:s13] =	ssyncset.done $0x0  }
0x39: {  	[sflag:s13] =	ssyncadd.s32 $0xFFFFFFB0  }
0x3a: {  	[bflag:$0x0] =	sbarrier.arrive $0xFFFF  }
0x3b: {  	[hbm:s7], [sflag:s6] =	dma.local [spmem:s12], $0x50  }
0x3c: {  	s19 =	sadd.s32 $0x1, s19;
	_ =	swait.ge [sflag:s13], $0x50  }
0x3d: {  	p0 =	sne.s32 s19, s11;
	[sflag:s13] =	ssyncset.done $0x0  }
.Ltmp2:
0x3e: {  	[sflag:s13] =	ssyncadd.s32 $0xFFFFFFB0;
	(pc) =	sbr.rel @p0 .LBB2_1-.Ltmp2, $4  }
0x3f: {  	[hbm:s10], [sflag:s6] =	dma.local [spmem:s14], $0x50  }
0x40: {  	_ =	swait.ge [sflag:s13], $0x50  }
0x41: {  	[sflag:s13] =	ssyncset.done $0x0  }
0x42: {  	[sflag:s13] =	ssyncadd.s32 $0xFFFFFFB0  }
0x43: {  	_ =	sfence.sel $0x180000  }
0x44: {  	[bflag:$0x0] =	sbarrier.arrive $0xFFFF  }
0x45: {  	p0 =	sne.s32 s3, $0x0;
	_ =	strace $0x90000047  }
0x46: {  	s0 =	sadd.s32 @!p0 $0x100000, s0;
	[bflag:$0x2] =	sbarrier.arrive $0xFFFF  }
0x47: {  	[sflag:s0] =	ssyncadd.tile.s32 @!p0 $0x1;
	_ =	shalt  }
.Lfunc_end2:
_tile_overlayer_lowered:
.L_overlay_start_2:
0x48: {  	(tag) =	ssettag $0x2  }
0x49: {  	s0 =	rddreg [dreg:$0x0];
	s2 =	stileid.u32  }
0x4a: {  	s1 =	rddreg [dreg:$0x1];
	p0 =	sne.s32 s2, $0x0  }
0x4b: {  	s3 =	rddreg [dreg:$0x2];
	[bflag:$0x3] =	sbarrier.arrive $0xFFFF;
	s2 =	simm.s32 @!p0 $0x1C01  }
0x4c: {  	[timem:s3], [sflag:s2] =	dma.local @!p0 [hbm:s0], s1  }
0x4d: {  	s0 =	simm.s32 @!p0 $0x1  }
0x4e: {  	_ =	swait.ge @!p0 [sflag:s0], s1  }
0x4f: {  	s1 =	ssub.s32 @!p0 $0x0, s1;
	[sflag:s0] =	ssyncset.done @!p0 $0x0  }
0x50: {  	[sflag:s0] =	ssyncadd.s32 @!p0 s1  }
0x51: {  	[bflag:$0x3] =	sbarrier.arrive $0xFFFF  }
0x52: {  	_ =	shalt  }

// kernel: kernel.9.cloned.1.call-start
scs
__scs_entry_jumppad:
0x0: {  	(pc) =	sbr.rel $0x88, $3  }
0x1: {  	(tag) =	ssettag $0x0;
	lr =	simm.s32 $0x1  }
0x2: {  	[smem:$0x3F9D] =	sst lr;
	_ =	strace $0xD0000000  }
0x3: {  	_ = 	snop  }
0x4: {  	_ = 	snop  }
0x5: {  	_ = 	snop  }
0x6: {  	_ = 	snop  }
0x7: {  	_ = 	snop  }
__scs_overlays_trampoline_lowered:
0x8: {  	[smem:$0x3FAC] =	sst s0  }
0x9: {  	[smem:$0x3FAD] =	sst s1  }
0xa: {  	[smem:$0x3FAE] =	sst s2  }
0xb: {  	[smem:$0x3FAF] =	sst s3  }
0xc: {  	[smem:$0x3FB0] =	sst s4  }
0xd: {  	[smem:$0x3FB1] =	sst s5  }
0xe: {  	[smem:$0x3FB2] =	sst s6  }
0xf: {  	[smem:$0x3FB3] =	sst s7  }
0x10: {  	[smem:$0x3FB4] =	sst s8  }
0x11: {  	[smem:$0x3FB5] =	sst s9;
	s0 =	simm.s32 @!p0 $0x0  }
0x12: {  	s1 =	sld [smem:$0x3F9B];
	s0 =	simm.s32 @p0 $0x1  }
0x13: {  	[smem:$0x3FB6] =	sst s0;
	s0 =	simm.s32 @!p1 $0x0  }
0x14: {  	s2 =	sld [smem:$0x3F9A];
	s0 =	simm.s32 @p1 $0x1  }
0x15: {  	[smem:$0x3FB7] =	sst s0;
	s0 =	simm.s32 @!p2 $0x0  }
0x16: {  	s3 =	sld [smem:$0x3FDB];
	s0 =	simm.s32 @p2 $0x1  }
0x17: {  	s4 =	simm.s32 $0x1BF5;
	[smem:$0x3FB9] =	sst s0  }
0x18: {  	s0 =	sld [smem:$0x3F9C];
	_ =	swait.ge [sflag:s4], $0x0  }
0x19: {  	s7 =	sld [smem:$0x3F9D]  }
0x1a: {  	s8 =	sadd.s32 $0xFFFFE003, lr  }
0x1b: {  	s9 =	sadd.s32 $0xFFFFFEF7, lr;
	s5 =	simm.s32 $0xFFFFFFFF;
	p2 =	slt.u32 s8, $0xFFFFF086  }
0x1c: {  	p1 =	slt.u32 s9, $0xF7A;
	s5 =	simm.s32 @!p2 $0x0  }
0x1d: {  	s5 =	simm.s32 @p1 $0x1;
	p0 =	seq.s32 s7, s2  }
0x1e: {  	s7 =	smul.u32 @!p0 $0xF7A, s2;
	p2 =	seq.s32 @!p0 s5, $0x0  }
0x1f: {  	s9 =	smul.u32 $0xF7A, s1;
	s8 =	simm.s32 @!p0 $0x1BF5;
	p2 =	por !p2, p0  }
0x20: {  	[sflag:s8] =	ssyncset.s32 @!p0 $0xFFFFF086;
	s6 =	sadd.s32 @!p0 s3, s7;
	s7 =	simm.s32 @!p0 $0x108  }
0x21: {  	s3 =	sadd.s32 s3, s9;
	s6 =	sadd.s32 @!p0 $0x88, s6;
	s7 =	simm.s32 @p2 $0x1082  }
0x22: {  	[simem:s7], [sflag:s8] =	dma.local @!p0 [hbm:s6], $0xF7A  }
0x23: {  	s9 =	sor.u32 $0xD0000000, s2;
	s6 =	simm.s32 $0x108;
	_ =	swait.ge @!p0 [sflag:s8], $0x0  }
0x24: {  	s3 =	sadd.s32 $0x88, s3;
	s6 =	simm.s32 @!p1 $0x1082;
	[sflag:s4] =	ssyncset.s32 $0xFFFFF086  }
0x25: {  	[simem:s6], [sflag:s4] =	dma.local [hbm:s3], $0xF7A  }
0x26: {  	[smem:$0x3F9D] =	sst s1;
	(tag) =	ssettag s2;
	_ =	strace s9  }
0x27: {  	s1 =	sld [smem:$0x3FAD]  }
0x28: {  	s2 =	sld [smem:$0x3FAE]  }
0x29: {  	s4 =	sld [smem:$0x3FB0]  }
0x2a: {  	p0 =	seq.s32 s5, $0x0;
	s5 =	sld [smem:$0x3FB1]  }
0x2b: {  	s6 =	sld [smem:$0x3FB2]  }
0x2c: {  	s7 =	sld [smem:$0x3FB3]  }
0x2d: {  	s3 =	simm.s32 $0x108;
	s8 =	sld [smem:$0x3FB4]  }
0x2e: {  	s3 =	simm.s32 @!p0 $0x1082;
	s9 =	sld [smem:$0x3FB5]  }
0x2f: {  	lr =	sadd.s32 s0, s3;
	s0 =	sld [smem:$0x3FAC]  }
0x30: {  	s3 =	sld [smem:$0x3FAF]  }
0x31: {  	[smem:$0x3FB8] =	sst s10  }
0x32: {  	s10 =	sld [smem:$0x3FB6];
	_ =	sdelay $0x3  }
0x33: {  	p0 =	seq.s32 s10, $0x1;
	s10 =	sld [smem:$0x3FB8];
	_ =	sdelay $0x3  }
0x34: {  	[smem:$0x3FB8] =	sst s10  }
0x35: {  	s10 =	sld [smem:$0x3FB7];
	_ =	sdelay $0x3  }
0x36: {  	p1 =	seq.s32 s10, $0x1;
	s10 =	sld [smem:$0x3FB8];
	_ =	sdelay $0x3  }
0x37: {  	[smem:$0x3FB8] =	sst s10  }
0x38: {  	s10 =	sld [smem:$0x3FB9]  }
0x39: {  	_ = 	snop;
	(pc) =	sbr.ind lr, $3  }
0x3a: {  	_ = 	snop  }
0x3b: {  	_ = 	snop  }
0x3c: {  	p2 =	seq.s32 s10, $0x1;
	s10 =	sld [smem:$0x3FB8]  }
0x3d: {  	_ =	shalt  }
0x3e: {  	_ =	shalt  }
0x3f: {  	_ =	shalt  }
0x40: {  	_ =	shalt  }
0x41: {  	_ =	shalt  }
0x42: {  	_ =	shalt  }
0x43: {  	_ =	shalt  }
0x44: {  	_ =	shalt  }
0x45: {  	_ =	shalt  }
0x46: {  	_ =	shalt  }
0x47: {  	_ =	shalt  }
0x48: {  	_ =	shalt  }
0x49: {  	_ =	shalt  }
0x4a: {  	_ =	shalt  }
0x4b: {  	_ =	shalt  }
0x4c: {  	_ =	shalt  }
0x4d: {  	_ =	shalt  }
0x4e: {  	_ =	shalt  }
0x4f: {  	_ =	shalt  }
0x50: {  	_ =	shalt  }
0x51: {  	_ =	shalt  }
0x52: {  	_ =	shalt  }
0x53: {  	_ =	shalt  }
0x54: {  	_ =	shalt  }
0x55: {  	_ =	shalt  }
0x56: {  	_ =	shalt  }
0x57: {  	_ =	shalt  }
0x58: {  	_ =	shalt  }
0x59: {  	_ =	shalt  }
0x5a: {  	_ =	shalt  }
0x5b: {  	_ =	shalt  }
0x5c: {  	_ =	shalt  }
0x5d: {  	_ =	shalt  }
0x5e: {  	_ =	shalt  }
0x5f: {  	_ =	shalt  }
0x60: {  	_ =	shalt  }
0x61: {  	_ =	shalt  }
0x62: {  	_ =	shalt  }
0x63: {  	_ =	shalt  }
0x64: {  	_ =	shalt  }
0x65: {  	_ =	shalt  }
0x66: {  	_ =	shalt  }
0x67: {  	_ =	shalt  }
0x68: {  	_ =	shalt  }
0x69: {  	_ =	shalt  }
0x6a: {  	_ =	shalt  }
0x6b: {  	_ =	shalt  }
0x6c: {  	_ =	shalt  }
0x6d: {  	_ =	shalt  }
0x6e: {  	_ =	shalt  }
0x6f: {  	_ =	shalt  }
0x70: {  	_ =	shalt  }
0x71: {  	_ =	shalt  }
0x72: {  	_ =	shalt  }
0x73: {  	_ =	shalt  }
0x74: {  	_ =	shalt  }
0x75: {  	_ =	shalt  }
0x76: {  	_ =	shalt  }
0x77: {  	_ =	shalt  }
0x78: {  	_ =	shalt  }
0x79: {  	_ =	shalt  }
0x7a: {  	_ =	shalt  }
0x7b: {  	_ =	shalt  }
0x7c: {  	_ =	shalt  }
0x7d: {  	_ =	shalt  }
0x7e: {  	_ =	shalt  }
0x7f: {  	_ =	shalt  }
0x80: {  	_ =	shalt  }
0x81: {  	_ =	shalt  }
0x82: {  	_ =	shalt  }
0x83: {  	_ =	shalt  }
0x84: {  	_ =	shalt  }
0x85: {  	_ =	shalt  }
0x86: {  	_ =	shalt  }
0x87: {  	_ =	shalt  }
.Lfunc_end0:
.L_simem_size_0:
called_computation.1_lowered:
.L_overlay_start_0:
0x88: {  	s2 =	sld [smem:$0x3FD9]  }
0x89: {  	s3 =	sld [smem:$0x3FFE];
	_ =	sdelay $0x1  }
0x8a: {  	s1 =	srdreg.scid  }
0x8b: {  	s0 =	sand.u32 $0x1, s1  }
0x8c: {  	s17 =	sshll.u32 s0, $0xA;
	s2 =	sadd.s32 s3, s2  }
0x8d: {  	s2 =	sadd.s32 s2, s17  }
0x8e: {  	[smem:$0x3FC4] =	sst s2  }
0x8f: {  	_ = 	snop  }
0x90: {  	s2 =	sld [smem:$0x3FD0];
	(tm) =	ssettm $0x1  }
0x91: {  	s18 =	sld [smem:$0x3FFB];
	_ =	sdelay $0x3  }
0x92: {  	_ =	strace s18  }
0x93: {  	s3 =	sld [smem:$0x3FFC];
	_ =	sdelay $0x3  }
0x94: {  	_ =	strace s3  }
0x95: {  	s3 =	sld [smem:$0x3FFD];
	_ =	sdelay $0x3  }
0x96: {  	_ =	strace s3  }
0x97: {  	_ =	strace $0x8FFFFFFF  }
0x98: {  	s19 =	sld [smem:$0x3FDB];
	_ =	sdelay $0x1  }
0x99: {  	s4 =	simm.s32 $_scs_section_size  }
0x9a: {  	s5 =	simm.s32 $_size__tile_overlayer_lowered;
	s6 =	simm.s32 $_tile_overlayer_lowered  }
0x9b: {  	s22 =	simm.s32 $0x1BFF;
	s21 =	sshll.u32 s6, $0x1;
	s3 =	sadd.s32 s4, s19  }
0x9c: {  	s7 =	simm.s32 $0x0;
	s20 =	sshll.u32 s5, $0x1;
	s5 =	sadd.s32 s21, s3  }
0x9d: {  	[timem:s7], [sflag:s22] =	dma.local [hbm:s5], s20  }
0x9e: {  	_ =	swait.ge [sflag:s22], s20  }
0x9f: {  	s4 =	ssub.s32 $0x0, s20;
	[sflag:s22] =	ssyncset.done $0x0  }
0xa0: {  	[sflag:s22] =	ssyncadd.s32 s4;
	_ =	sdelay $0x1  }
0xa1: {  	s23 =	simm.s32 $0x1B8B  }
0xa2: {  	_ =	swait.ge [sflag:s23], $0x1  }
0xa3: {  	[sflag:s23] =	ssyncset.done $0x0  }
0xa4: {  	s25 =	simm.s32 $0x1B8E;
	s24 =	sld [smem:$0x3FFE];
	[sflag:s23] =	ssyncadd.s32 $0xFFFFFFFF  }
0xa5: {  	s26 =	simm.s32 $execute0_lowered;
	[smem:$0x3FD2] =	sst s25  }
0xa6: {  	s5 =	sshll.u32 s26, $0x1;
	_ =	strace $0x80000049;
	[dreg:$0x1] =	wrdreg $0xFFFFFFFF  }
0xa7: {  	s28 =	simm.s32 $_size_execute0_lowered;
	s3 =	sadd.s32 s3, s5;
	[dreg:$0x0] =	wrdreg $0x0  }
0xa8: {  	s5 =	sshll.u32 s28, $0x1;
	[dreg:$0x2] =	wrdreg s3  }
0xa9: {  	[dreg:$0x3] =	wrdreg s5  }
0xaa: {  	[dreg:$0x4] =	wrdreg $0xC0  }
0xab: {  	_ =	task [dreg:s7], $0x5FFFF  }
0xac: {  	[dreg:$0x1] =	wrdreg $0xFFFFFFFF  }
0xad: {  	[dreg:$0x0] =	wrdreg $0x60  }
0xae: {  	[dreg:$0x2] =	wrdreg s24  }
0xaf: {  	[dreg:$0x3] =	wrdreg s2  }
0xb0: {  	[dreg:$0x4] =	wrdreg $0x0  }
0xb1: {  	[dreg:$0x5] =	wrdreg $0x9  }
0xb2: {  	_ =	task.clear_ibuf [dreg:s7], $0x6FFFF;
	_ =	strace $0x90000049  }
0xb3: {  	s29 =	simm.s32 $0x9;
	_ =	strace $0x8000004B  }
0xb4: {  	_ =	swait.ge [sflag:s29], $0x1  }
0xb5: {  	[sflag:s29] =	ssyncadd.s32 $0xFFFFFFFF  }
0xb6: {  	_ =	strace $0x9000004B  }
0xb7: {  	_ =	sfence  }
0xb8: {  	s30 =	sld [smem:$0x0];
	_ =	sdelay $0x2  }
0xb9: {  	s31 =	sshll.u32 s1, $0xD;
	s1 =	sshrl.u32 s1, $0x2  }
0xba: {  	s3 =	sand.u32 $0x4000, s31;
	s1 =	sadd.s32 s1, s30  }
0xbb: {  	s0 =	sor.u32 s3, s0;
	s1 =	sshll.u32 s1, $0x11  }
0xbc: {  	s0 =	sor.u32 s1, s0  }
0xbd: {  	s0 =	sadd.s32 $0x8F2B, s0  }
0xbe: {  	[sflag:s0] =	ssyncadd.remote.s32 $0x1  }
0xbf: {  	_ =	sfence.sel $0xFFFF  }
0xc0: {  	[dreg:$0x0] =	wrdreg $0xFFFFFFFF;
	(pc) =	sbr.abs _section_cstart, $3  }
0xc1: {  	[dreg:$0x1] =	wrdreg $0xFFFFFFFF  }
0xc2: {  	_ =	task.clear_ibuf [dreg:s7], $0x2FFFF;
	_ =	strace $0x9FFFFFFF  }
0xc3: {  	(tm) =	ssettm $0x7FFFFFFF  }
tec
execute0_lowered:
.L_overlay_start_1:
0x0: {  	(tag) =	ssettag $0x1  }
0x1: {  	s0 =	rddreg [dreg:$0x0]  }
0x2: {  	s2 =	rddreg [dreg:$0x1]  }
0x3: {  	s11 =	stileid.u32;
	s1 =	srdreg.scid  }
0x4: {  	s3 =	rddreg [dreg:$0x2];
	s4 =	simm.s32 $0x0;
	s15 =	simm.s32 $0xA  }
0x5: {  	s17 =	simm.s32 $0x18000;
	s18 =	simm.s32 $0x50;
	s19 =	simm.s32 $0x18180  }
0x6: {  	s20 =	simm.s32 $0x18080;
	s28 =	simm.s32 $0x5;
	s29 =	simm.s32 $0x2  }
0x7: {  	s30 =	simm.s32 $0x7;
	s31 =	simm.s32 $0x6;
	s5 =	smul.u32 $0x14000, s11  }
0x8: {  	s1 =	sand.u32 $0x1, s1;
	[smem:$0x7FF] =	sst s4;
	s8 =	smul.u32 $0x50000, s11  }
0x9: {  	s10 =	sshll.u32 s11, $0xF;
	s23 =	sshll.u32 s11, $0x6;
	s6 =	smul.u32 $0x140000, s1  }
0xa: {  	_ =	strace $0x8000004A;
	s21 =	ssub.s32 $0x2, s1;
	s1 =	sshll.u32 s1, $0xE  }
0xb: {  	s7 =	sshrl.u32 s5, $0x3;
	s9 =	sshrl.u32 s21, $0x1;
	s8 =	sshrl.u32 s8, $0x2  }
0xc: {  	s1 =	sor.u32 s1, s10;
	s6 =	sadd.s32 s5, s6;
	s5 =	sadd.s32 $0x1800, s0  }
0xd: {  	s7 =	sadd.s32 s7, s0;
	s22 =	sadd.s32 s8, s3;
	s8 =	sor.u32 $0x1C0A, s23  }
0xe: {  	s23 =	simm.s32 $0x4;
	s6 =	sshrl.u32 s6, $0x3;
	s7 =	sadd.s32 $0x21800, s7  }
0xf: {  	s14 =	sshrl.u32 s22, $0x3;
	s22 =	simm.s32 $0x1A980;
	s0 =	sadd.s32 s6, s0  }
0x10: {  	[dreg:$0x4] =	wrdreg s7;
	s7 =	sor.u32 $0x80000, s1;
	s1 =	sshrl.u32 s1, $0x3  }
0x11: {  	s6 =	ssub.s32 s21, s9;
	s24 =	sshrl.u32 s7, $0x3;
	s1 =	sadd.s32 s5, s1  }
0x12: {  	s0 =	sadd.s32 $0x49800, s0;
	s26 =	smax.u32 s6, $0x1;
	[dreg:$0x5] =	wrdreg s1  }
0x13: {  	s6 =	simm.s32 $0x0;
	s25 =	sadd.s32 s5, s24;
	[dreg:$0x8] =	wrdreg s0  }
0x14: {  	s1 =	sadd.s32 $0x10010, s1;
	[dreg:$0x9] =	wrdreg s26;
	s24 =	simm.s32 $0x1  }
0x15: {  	s26 =	simm.s32 $0x1D180;
	s0 =	simm.s32 $0x8;
	[dreg:$0x6] =	wrdreg s25  }
0x16: {  	[dreg:$0x7] =	wrdreg s1;
	s25 =	simm.s32 $0x18100;
	s1 =	simm.s32 $0x3  }
.LBB2_1:
0x17: {  	s9 =	rddreg [dreg:$0x4]  }
0x18: {  	[spmem:s14], [sflag:s8] =	dma.local [hbm:s9], $0x2800  }
0x19: {  	_ =	swait.ge [sflag:s15], $0x2800  }
0x1a: {  	[sflag:s15] =	ssyncset.done $0x0  }
0x1b: {  	s10 =	simm.s32 $0x14000;
	s21 =	rddreg [dreg:$0x5];
	[sflag:s15] =	ssyncadd.s32 $0xFFFFD800  }
0x1c: {  	[tilespmem:s10], [sflag:$0xA] =	stream.linear.gather [hbm4b:s21+s4], $0x3E80, $0x38;
	[tilespmem:$0x1F980] =	vst v63  }
0x1d: {  	_ =	swait.ge [sflag:s15], $0x3E80  }
0x1e: {  	[sflag:s15] =	ssyncset.done $0x0  }
0x1f: {  	[sflag:s15] =	ssyncadd.s32 $0xFFFFC180  }
0x20: {  	[bflag:$0x0] =	sbarrier.arrive $0xFFFF  }
0x21: {  	s11 =	rddreg [dreg:$0x6]  }
0x22: {  	[tilespmem:s17], [sflag:$0x4] =	stream.linear.gather [hbm4b:s11+s4], $0x80, $0x38;
	[tilespmem:$0x1F980] =	vst v63  }
0x23: {  	_ = 	snop  }
0x24: {  	[tilespmem:s19], [sflag:$0x1] =	stream.indirect.gather [hbm4b:s2+s18], $0x80, s10, s18, $0xb8;
	[tilespmem:$0x1F980] =	vst v63  }
0x25: {  	s12 =	rddreg [dreg:$0x7]  }
0x26: {  	[tilespmem:s20], [sflag:$0x5] =	stream.linear.gather [hbm4b:s12+s4], $0x80, $0x38;
	[tilespmem:$0x1F980] =	vst v63  }
0x27: {  	s13 =	simm.s32 $0x14080  }
0x28: {  	[tilespmem:s22], [sflag:$0x2] =	stream.indirect.gather [hbm4b:s2+s18], $0x80, s13, s18, $0xb8;
	[tilespmem:$0x1F980] =	vst v63  }
0x29: {  	_ =	swait.ge [sflag:s23], $0x80  }
0x2a: {  	[sflag:s23] =	ssyncset.done $0x0  }
0x2b: {  	s16 =	simm.s32 $0x100;
	[sflag:s23] =	ssyncadd.s32 $0xFFFFFF80  }
0x2c: {  	s11 =	sand.u32 $0xFC00, s16;
	_ =	swait.ge [sflag:s24], $0x2800  }
0x2d: {  	p0 =	por $0x1, $0x1;
	s11 =	sadd.s32 s7, s11;
	[sflag:s24] =	ssyncset.done $0x0  }
0x2e: {  	s10 =	sand.u32 $0x380, s16;
	s12 =	simm.s32 @!p0 $0x9;
	[sflag:s24] =	ssyncadd.s32 $0xFFFFD800  }
0x2f: {  	[spmem:s3] =	stream.indirect.scatter.add.f32 [tilespmem:s19], [sflag:$0x7], $0x80, s17, s18, $0xb8;
	[tilespmem:$0x1F980] =	vst v63  }
0x30: {  	s10 =	sor.u32 s10, s11;
	_ =	swait.ge @!p0 [sflag:s12], $0x2800  }
0x31: {  	s10 =	sshrl.u32 s10, $0x3;
	[sflag:s12] =	ssyncset.done @!p0 $0x0  }
0x32: {  	s10 =	sadd.s32 s5, s10;
	[sflag:s12] =	ssyncadd.s32 @!p0 $0xFFFFD800  }
0x33: {  	[tilespmem:s25], [sflag:$0x6] =	stream.linear.gather [hbm4b:s10+s4], $0x80, $0x38;
	[tilespmem:$0x1F980] =	vst v63  }
0x34: {  	s21 =	simm.s32 $0x14100  }
0x35: {  	[tilespmem:s26], [sflag:$0x3] =	stream.indirect.gather [hbm4b:s2+s18], $0x80, s21, s18, $0xb8;
	[tilespmem:$0x1F980] =	vst v63  }
0x36: {  	_ =	swait.ge [sflag:s28], $0x80  }
0x37: {  	[sflag:s28] =	ssyncset.done $0x0  }
0x38: {  	[sflag:s28] =	ssyncadd.s32 $0xFFFFFF80  }
0x39: {  	s9 =	simm.s32 $0x180;
	_ =	swait.ge [sflag:s29], $0x2800  }
0x3a: {  	s12 =	sand.u32 $0xFC00, s9;
	[sflag:s29] =	ssyncset.done $0x0  }
0x3b: {  	s11 =	sadd.s32 s7, s12;
	s10 =	sand.u32 $0x380, s9;
	[sflag:s29] =	ssyncadd.s32 $0xFFFFD800  }
0x3c: {  	[spmem:s3] =	stream.indirect.scatter.add.f32 [tilespmem:s22], [sflag:$0x8], $0x80, s20, s18, $0xb8;
	[tilespmem:$0x1F980] =	vst v63  }
0x3d: {  	s10 =	sor.u32 s10, s11;
	_ =	swait.ge [sflag:s30], $0x2800  }
0x3e: {  	s10 =	sshrl.u32 s10, $0x3;
	[sflag:s30] =	ssyncset.done $0x0  }
0x3f: {  	s10 =	sadd.s32 s5, s10;
	[sflag:s30] =	ssyncadd.s32 $0xFFFFD800  }
0x40: {  	[tilespmem:s17], [sflag:$0x4] =	stream.linear.gather [hbm4b:s10+s4], $0x80, $0x38;
	[tilespmem:$0x1F980] =	vst v63  }
0x41: {  	s13 =	simm.s32 $0x14180  }
0x42: {  	[tilespmem:s19], [sflag:$0x1] =	stream.indirect.gather [hbm4b:s2+s18], $0x80, s13, s18, $0xb8;
	[tilespmem:$0x1F980] =	vst v63  }
0x43: {  	_ =	swait.ge [sflag:s31], $0x80  }
0x44: {  	[sflag:s31] =	ssyncset.done $0x0  }
0x45: {  	[sflag:s31] =	ssyncadd.s32 $0xFFFFFF80  }
0x46: {  	s16 =	simm.s32 $0x200;
	_ =	swait.ge [sflag:s1], $0x2800  }
0x47: {  	s21 =	sand.u32 $0xFC00, s16;
	[sflag:s1] =	ssyncset.done $0x0  }
0x48: {  	s11 =	sadd.s32 s7, s21;
	s10 =	sand.u32 $0x380, s16;
	[sflag:s1] =	ssyncadd.s32 $0xFFFFD800  }
0x49: {  	[spmem:s3] =	stream.indirect.scatter.add.f32 [tilespmem:s26], [sflag:$0x9], $0x80, s25, s18, $0xb8;
	[tilespmem:$0x1F980] =	vst v63  }
0x4a: {  	s10 =	sor.u32 s10, s11;
	_ =	swait.ge [sflag:s0], $0x2800  }
0x4b: {  	s10 =	sshrl.u32 s10, $0x3;
	[sflag:s0] =	ssyncset.done $0x0  }
0x4c: {  	s10 =	sadd.s32 s5, s10;
	[sflag:s0] =	ssyncadd.s32 $0xFFFFD800  }
0x4d: {  	[tilespmem:s20], [sflag:$0x5] =	stream.linear.gather [hbm4b:s10+s4], $0x80, $0x38;
	[tilespmem:$0x1F980] =	vst v63  }
0x4e: {  	s16 =	simm.s32 $0x14200;
	s11 =	simm.s32 $0x380;
	s10 =	simm.s32 $0x14200  }
.LBB2_2:
0x4f: {  	s10 =	sadd.s32 $0x180, s10;
	s12 =	smov.u32 s11;
	s11 =	sadd.s32 $0x180, s11  }
0x50: {  	[tilespmem:s22], [sflag:$0x2] =	stream.indirect.gather [hbm4b:s2+s18], $0x80, s16, s18, $0xb8;
	[tilespmem:$0x1F980] =	vst v63  }
0x51: {  	p0 =	sne.s32 s11, $0x3F80;
	s16 =	smov.u32 s10;
	_ =	swait.ge [sflag:s23], $0x80  }
0x52: {  	[sflag:s23] =	ssyncset.done $0x0  }
0x53: {  	[sflag:s23] =	ssyncadd.s32 $0xFFFFFF80  }
0x54: {  	_ =	swait.ge [sflag:s24], $0x2800  }
0x55: {  	p1 =	seq.s32 s12, $0x200;
	s13 =	sadd.s32 $0xFFFFFF00, s12;
	[sflag:s24] =	ssyncset.done $0x0  }
0x56: {  	s9 =	simm.s32 @!p1 $0x9;
	s21 =	sand.u32 $0xFC00, s13;
	[sflag:s24] =	ssyncadd.s32 $0xFFFFD800  }
0x57: {  	[spmem:s3] =	stream.indirect.scatter.add.f32 [tilespmem:s19], [sflag:$0x7], $0x80, s17, s18, $0xb8;
	[tilespmem:$0x1F980] =	vst v63  }
0x58: {  	s13 =	sand.u32 $0x380, s13;
	s21 =	sadd.s32 s7, s21;
	_ =	swait.ge @!p1 [sflag:s9], $0x2800  }
0x59: {  	s13 =	sor.u32 s13, s21;
	[sflag:s9] =	ssyncset.done @!p1 $0x0  }
0x5a: {  	[sflag:s9] =	ssyncadd.s32 @!p1 $0xFFFFD800;
	s9 =	sshrl.u32 s13, $0x3  }
0x5b: {  	s13 =	sadd.s32 $0xFFFFFF00, s10;
	s9 =	sadd.s32 s5, s9  }
0x5c: {  	[tilespmem:s25], [sflag:$0x6] =	stream.linear.gather [hbm4b:s9+s4], $0x80, $0x38;
	[tilespmem:$0x1F980] =	vst v63  }
0x5d: {  	_ = 	snop  }
0x5e: {  	[tilespmem:s26], [sflag:$0x3] =	stream.indirect.gather [hbm4b:s2+s18], $0x80, s13, s18, $0xb8;
	[tilespmem:$0x1F980] =	vst v63  }
0x5f: {  	_ =	swait.ge [sflag:s28], $0x80  }
0x60: {  	[sflag:s28] =	ssyncset.done $0x0  }
0x61: {  	[sflag:s28] =	ssyncadd.s32 $0xFFFFFF80  }
0x62: {  	s9 =	sadd.s32 $0xFFFFFF80, s12;
	_ =	swait.ge [sflag:s29], $0x2800  }
0x63: {  	s13 =	sand.u32 $0xFC00, s9;
	[sflag:s29] =	ssyncset.done $0x0  }
0x64: {  	s9 =	sand.u32 $0x380, s9;
	s13 =	sadd.s32 s7, s13;
	[sflag:s29] =	ssyncadd.s32 $0xFFFFD800  }
0x65: {  	[spmem:s3] =	stream.indirect.scatter.add.f32 [tilespmem:s22], [sflag:$0x8], $0x80, s20, s18, $0xb8;
	[tilespmem:$0x1F980] =	vst v63  }
0x66: {  	s9 =	sor.u32 s9, s13;
	_ =	swait.ge [sflag:s30], $0x2800  }
0x67: {  	s9 =	sshrl.u32 s9, $0x3;
	[sflag:s30] =	ssyncset.done $0x0  }
0x68: {  	s13 =	sadd.s32 $0xFFFFFF80, s10;
	s9 =	sadd.s32 s5, s9;
	[sflag:s30] =	ssyncadd.s32 $0xFFFFD800  }
0x69: {  	[tilespmem:s17], [sflag:$0x4] =	stream.linear.gather [hbm4b:s9+s4], $0x80, $0x38;
	[tilespmem:$0x1F980] =	vst v63  }
0x6a: {  	_ = 	snop  }
0x6b: {  	[tilespmem:s19], [sflag:$0x1] =	stream.indirect.gather [hbm4b:s2+s18], $0x80, s13, s18, $0xb8;
	[tilespmem:$0x1F980] =	vst v63  }
0x6c: {  	_ =	swait.ge [sflag:s31], $0x80  }
0x6d: {  	[sflag:s31] =	ssyncset.done $0x0  }
0x6e: {  	[sflag:s31] =	ssyncadd.s32 $0xFFFFFF80  }
0x6f: {  	_ =	swait.ge [sflag:s1], $0x2800  }
0x70: {  	s9 =	sand.u32 $0xFC00, s12;
	[sflag:s1] =	ssyncset.done $0x0  }
0x71: {  	s12 =	sand.u32 $0x380, s12;
	s9 =	sadd.s32 s7, s9;
	[sflag:s1] =	ssyncadd.s32 $0xFFFFD800  }
0x72: {  	[spmem:s3] =	stream.indirect.scatter.add.f32 [tilespmem:s26], [sflag:$0x9], $0x80, s25, s18, $0xb8;
	[tilespmem:$0x1F980] =	vst v63  }
.Ltmp0:
0x73: {  	_ = 	snop;
	(pc) =	sbr.rel @p0 .LBB2_2-.Ltmp0, $4  }
0x74: {  	s9 =	sor.u32 s12, s9;
	_ =	swait.ge [sflag:s0], $0x2800  }
0x75: {  	s9 =	sshrl.u32 s9, $0x3;
	[sflag:s0] =	ssyncset.done $0x0  }
0x76: {  	s9 =	sadd.s32 s5, s9;
	[sflag:s0] =	ssyncadd.s32 $0xFFFFD800  }
0x77: {  	[tilespmem:s20], [sflag:$0x5] =	stream.linear.gather [hbm4b:s9+s4], $0x80, $0x38;
	[tilespmem:$0x1F980] =	vst v63  }
0x78: {  	[tilespmem:s22], [sflag:$0x2] =	stream.indirect.gather [hbm4b:s2+s18], $0x80, s16, s18, $0xb8;
	[tilespmem:$0x1F980] =	vst v63  }
0x79: {  	_ =	swait.ge [sflag:s23], $0x80  }
0x7a: {  	[sflag:s23] =	ssyncset.done $0x0  }
0x7b: {  	[sflag:s23] =	ssyncadd.s32 $0xFFFFFF80  }
0x7c: {  	_ =	swait.ge [sflag:s24], $0x2800  }
0x7d: {  	[sflag:s24] =	ssyncset.done $0x0  }
0x7e: {  	[sflag:s24] =	ssyncadd.s32 $0xFFFFD800  }
0x7f: {  	[spmem:s3] =	stream.indirect.scatter.add.f32 [tilespmem:s19], [sflag:$0x7], $0x80, s17, s18, $0xb8;
	[tilespmem:$0x1F980] =	vst v63  }
0x80: {  	_ =	swait.ge [sflag:s28], $0x80  }
0x81: {  	[sflag:s28] =	ssyncset.done $0x0  }
0x82: {  	[sflag:s28] =	ssyncadd.s32 $0xFFFFFF80  }
0x83: {  	_ =	swait.ge [sflag:s29], $0x2800  }
0x84: {  	[sflag:s29] =	ssyncset.done $0x0  }
0x85: {  	s9 =	simm.s32 $0x9;
	[sflag:s29] =	ssyncadd.s32 $0xFFFFD800  }
0x86: {  	[spmem:s3] =	stream.indirect.scatter.add.f32 [tilespmem:s22], [sflag:$0x8], $0x80, s20, s18, $0xb8;
	[tilespmem:$0x1F980] =	vst v63  }
0x87: {  	_ =	swait.ge [sflag:s9], $0x2800  }
0x88: {  	[sflag:s9] =	ssyncset.done $0x0  }
0x89: {  	[sflag:s9] =	ssyncadd.s32 $0xFFFFD800  }
0x8a: {  	_ =	swait.ge [sflag:s30], $0x2800  }
0x8b: {  	[sflag:s30] =	ssyncset.done $0x0  }
0x8c: {  	[sflag:s30] =	ssyncadd.s32 $0xFFFFD800  }
0x8d: {  	_ =	swait.ge [sflag:s0], $0x2800  }
0x8e: {  	[sflag:s0] =	ssyncset.done $0x0  }
0x8f: {  	[sflag:s0] =	ssyncadd.s32 $0xFFFFD800  }
0x90: {  	[bflag:$0x0] =	sbarrier.arrive $0xFFFF  }
0x91: {  	s16 =	rddreg [dreg:$0x8]  }
0x92: {  	[hbm:s16], [sflag:s8] =	dma.local [spmem:s14], $0x2800  }
0x93: {  	_ =	swait.ge [sflag:s15], $0x2800  }
0x94: {  	s6 =	sadd.s32 $0x1, s6;
	s21 =	rddreg [dreg:$0x9]  }
0x95: {  	p0 =	sne.s32 s6, s21  }
.Ltmp1:
0x96: {  	_ = 	snop;
	(pc) =	sbr.rel @p0 .LBB2_1-.Ltmp1, $3  }
0x97: {  	_ =	sdelay $0x1  }
0x98: {  	[sflag:s15] =	ssyncset.done $0x0  }
0x99: {  	[sflag:s15] =	ssyncadd.s32 $0xFFFFD800  }
0x9a: {  	_ =	sfence.sel $0x180000  }
0x9b: {  	[bflag:$0x0] =	sbarrier.arrive $0xFFFF  }
0x9c: {  	_ =	strace $0x9000004A  }
0x9d: {  	s0 =	stileid.u32;
	[bflag:$0x2] =	sbarrier.arrive $0xFFFF  }
0x9e: {  	p0 =	sne.s32 s0, $0x0;
	s0 =	rddreg [dreg:$0x3]  }
0x9f: {  	s0 =	sadd.s32 @!p0 $0x100000, s0  }
0xa0: {  	[sflag:s0] =	ssyncadd.tile.s32 @!p0 $0x1;
	_ =	shalt  }
.Lfunc_end2:
_tile_overlayer_lowered:
.L_overlay_start_2:
0xa1: {  	(tag) =	ssettag $0x2  }
0xa2: {  	s0 =	rddreg [dreg:$0x0];
	s2 =	stileid.u32  }
0xa3: {  	s1 =	rddreg [dreg:$0x1];
	p0 =	sne.s32 s2, $0x0  }
0xa4: {  	s3 =	rddreg [dreg:$0x2];
	[bflag:$0x3] =	sbarrier.arrive $0xFFFF;
	s2 =	simm.s32 @!p0 $0x1C0A  }
0xa5: {  	[timem:s3], [sflag:s2] =	dma.local @!p0 [hbm:s0], s1  }
0xa6: {  	s0 =	simm.s32 @!p0 $0xA  }
0xa7: {  	_ =	swait.ge @!p0 [sflag:s0], s1  }
0xa8: {  	s1 =	ssub.s32 @!p0 $0x0, s1;
	[sflag:s0] =	ssyncset.done @!p0 $0x0  }
0xa9: {  	[sflag:s0] =	ssyncadd.s32 @!p0 s1  }
0xaa: {  	[bflag:$0x3] =	sbarrier.arrive $0xFFFF  }
0xab: {  	_ =	shalt  }

</sc_bundles>
